<compile_context>
chip_gen: v7x
topology: tpu7x:2x2x1
jax: 0.10.2.dev20260603
libtpu: 0.0.44.dev20260713+nightly
codegen_flags: <defaults>
</compile_context>

<pallas_src>
import dataclasses
import functools

import jax
import jax.numpy as jnp
import numpy as np
from jax.experimental import pallas as pl
from jax.experimental.pallas import tpu as pltpu
from jax.experimental.pallas import tpu_sc as plsc

B = 1024
D = 64
M = 100000
K = 128
ALPHA = 0.1
BETA = 1e-8
EPS = 1e-3

MT = 2048
NMT = 49
MP = MT * NMT
RT = 256
RG = 8
NEG = -1e30
L = 16
NB = MP // L
CAP = 192
PAD_BIN = NB - 1

NC = 2
NS = 16
SL = 16
ROWS_PER_W = B // (NC * NS)

_INT_MIN = np.int32(-2**31)
_FLIP = np.int32(0x7FFFFFFF)


def _monotone_i32(x):
    b = jax.lax.bitcast_convert_type(x, jnp.int32)
    return jnp.where(b >= 0, b, b ^ _FLIP)


def _inv_monotone_i32(k):
    b = jnp.where(k >= 0, k, k ^ _FLIP)
    return jax.lax.bitcast_convert_type(b, jnp.float32)


def _score_kernel(q_ref, kt_ref, lp_ref, a_ref, u_ref):
    j = pl.program_id(1)
    sim = jnp.dot(q_ref[:], kt_ref[:], preferred_element_type=jnp.float32)
    col = j * MT + jax.lax.broadcasted_iota(jnp.int32, (RT, MT), 1)
    a = jnp.where(col < M, sim + lp_ref[:], NEG)
    a_ref[:] = a
    u_ref[:] = jnp.max(a.reshape(RT, MT // L, L), axis=2)


def _binsel_kernel(u_ref, s_ref, key_ref):
    nch = 7
    cw = NB // nch
    for j in range(nch):
        sl = pl.ds(j * cw, cw)
        key_ref[:, sl] = _monotone_i32(u_ref[:, sl])

    def bit_step(i, t_u):
        bit = jax.lax.shift_left(jnp.int32(1), jnp.int32(31) - i)
        cand_u = t_u | bit
        cand_s = cand_u ^ _INT_MIN
        cnt = jnp.zeros((RG, 1), jnp.int32)
        for j in range(nch):
            k = key_ref[:, pl.ds(j * cw, cw)]
            cnt = cnt + jnp.sum((k >= cand_s).astype(jnp.int32), axis=1,
                                keepdims=True)
        return jnp.where(cnt >= jnp.int32(K), cand_u, t_u)

    t_u = jax.lax.fori_loop(0, 32, bit_step, jnp.zeros((RG, 1), jnp.int32))
    s_ref[:] = _inv_monotone_i32(t_u ^ _INT_MIN)


def _sc_body(u_hbm, srep_hbm, atbl_hbm, gtbl_hbm, gvtbl_hbm,
             ca_hbm, cg_hbm, cgv_hbm,
             u_v, s_v, ilo_v, ihi_v, glo_v, ghi_v, ca_v, cg_v, cgv_v, sem):
    wid = jax.lax.axis_index("s") * NC + jax.lax.axis_index("c")

    @pl.loop(0, ROWS_PER_W)
    def _row(r):
        b = wid * ROWS_PER_W + r
        pltpu.sync_copy(u_hbm.at[b], u_v)
        pltpu.sync_copy(srep_hbm.at[b], s_v)
        pad = jnp.full((SL,), PAD_BIN, jnp.int32)
        for jj in range(CAP // 2 // SL):
            ilo_v[pl.ds(jj * SL, SL)] = pad
            ihi_v[pl.ds(jj * SL, SL)] = pad
        sv = s_v[...]
        half = jnp.int32(CAP // 2)

        def body(j, off):
            uv = u_v[pl.ds(j * SL, SL)]
            m = uv >= sv
            mi = m.astype(jnp.int32)
            c = plsc.cumsum(mi)
            pos = off + c - 1
            src = jax.lax.iota(jnp.int32, SL) + j * SL
            m_lo = jnp.logical_and(m, pos < half)
            m_hi = jnp.logical_and(m, jnp.logical_and(pos >= half,
                                                      pos < jnp.int32(CAP)))
            plsc.store_scatter(ilo_v, [pos], src, mask=m_lo)
            plsc.store_scatter(ihi_v, [pos - half], src, mask=m_hi)
            return off + jnp.sum(mi)

        jax.lax.fori_loop(0, NB // SL, body, jnp.int32(0))

        boff = b * NB
        for jj in range(CAP // 2 // SL):
            sl = pl.ds(jj * SL, SL)
            glo_v[sl] = ilo_v[sl] + boff
            ghi_v[sl] = ihi_v[sl] + boff

        h = CAP // 2
        c1 = pltpu.async_copy(atbl_hbm.at[glo_v], ca_v.at[pl.ds(0, h)], sem)
        c2 = pltpu.async_copy(atbl_hbm.at[ghi_v], ca_v.at[pl.ds(h, h)], sem)
        c3 = pltpu.async_copy(gtbl_hbm.at[ilo_v], cg_v.at[pl.ds(0, h)], sem)
        c4 = pltpu.async_copy(gtbl_hbm.at[ihi_v], cg_v.at[pl.ds(h, h)], sem)
        c5 = pltpu.async_copy(gvtbl_hbm.at[ilo_v], cgv_v.at[pl.ds(0, h)], sem)
        c6 = pltpu.async_copy(gvtbl_hbm.at[ihi_v], cgv_v.at[pl.ds(h, h)], sem)
        c1.wait(); c2.wait(); c3.wait(); c4.wait(); c5.wait(); c6.wait()

        pltpu.sync_copy(ca_v, ca_hbm.at[b])
        pltpu.sync_copy(cg_v, cg_hbm.at[b])
        pltpu.sync_copy(cgv_v, cgv_hbm.at[b])


def _final_kernel(a_ref, g_ref, gv_ref, out_ref, key_ref):
    CE = CAP * L
    nch = 3
    cw = CE // nch
    for j in range(nch):
        sl = pl.ds(j * cw, cw)
        key_ref[:, sl] = _monotone_i32(a_ref[:, sl])

    def bit_step(i, t_u):
        bit = jax.lax.shift_left(jnp.int32(1), jnp.int32(31) - i)
        cand_u = t_u | bit
        cand_s = cand_u ^ _INT_MIN
        cnt = jnp.zeros((RG, 1), jnp.int32)
        for j in range(nch):
            k = key_ref[:, pl.ds(j * cw, cw)]
            cnt = cnt + jnp.sum((k >= cand_s).astype(jnp.int32), axis=1,
                                keepdims=True)
        return jnp.where(cnt >= jnp.int32(K), cand_u, t_u)

    t_u = jax.lax.fori_loop(0, 32, bit_step, jnp.zeros((RG, 1), jnp.int32))
    t_s = t_u ^ _INT_MIN

    s_gt_w = jnp.zeros((RG, 1), jnp.float32)
    s_gt_wv = jnp.zeros((RG, 1), jnp.float32)
    s_eq_w = jnp.zeros((RG, 1), jnp.float32)
    s_eq_wv = jnp.zeros((RG, 1), jnp.float32)
    cnt_gt = jnp.zeros((RG, 1), jnp.float32)
    cnt_eq = jnp.zeros((RG, 1), jnp.float32)
    for j in range(nch):
        sl = pl.ds(j * cw, cw)
        k = key_ref[:, sl]
        e = jnp.exp(a_ref[:, sl] - 1.0)
        w = e * g_ref[:, sl]
        wv = e * gv_ref[:, sl]
        gt = (k > t_s).astype(jnp.float32)
        eq = (k == t_s).astype(jnp.float32)
        s_gt_w += jnp.sum(w * gt, axis=1, keepdims=True)
        s_gt_wv += jnp.sum(wv * gt, axis=1, keepdims=True)
        s_eq_w += jnp.sum(w * eq, axis=1, keepdims=True)
        s_eq_wv += jnp.sum(wv * eq, axis=1, keepdims=True)
        cnt_gt += jnp.sum(gt, axis=1, keepdims=True)
        cnt_eq += jnp.sum(eq, axis=1, keepdims=True)

    frac = (jnp.float32(K) - cnt_gt) / jnp.maximum(cnt_eq, 1.0)
    denom = s_gt_w + frac * s_eq_w
    numer = s_gt_wv + frac * s_eq_wv
    out_ref[:] = jnp.clip(numer / denom, EPS, 1.0 - EPS)


@jax.jit
def kernel(q, memory_key, memory_values, memory_hist):
    kt = jnp.pad(memory_key, ((0, MP - M), (0, 0))).T
    hp = memory_hist + BETA
    lp = jnp.pad(jnp.log(hp), (0, MP - M)).reshape(1, MP)
    g = (ALPHA * memory_hist + BETA) / hp
    gtbl = jnp.pad(g, (0, MP - M)).reshape(NB, L)
    gvtbl = jnp.pad(g * memory_values, (0, MP - M)).reshape(NB, L)

    a, u = pl.pallas_call(
        _score_kernel,
        grid=(B // RT, NMT),
        in_specs=[
            pl.BlockSpec((RT, D), lambda i, j: (i, 0)),
            pl.BlockSpec((D, MT), lambda i, j: (0, j)),
            pl.BlockSpec((1, MT), lambda i, j: (0, j)),
        ],
        out_specs=[
            pl.BlockSpec((RT, MT), lambda i, j: (i, j)),
            pl.BlockSpec((RT, MT // L), lambda i, j: (i, j)),
        ],
        out_shape=[
            jax.ShapeDtypeStruct((B, MP), jnp.float32),
            jax.ShapeDtypeStruct((B, NB), jnp.float32),
        ],
        compiler_params=pltpu.CompilerParams(
            dimension_semantics=("parallel", "arbitrary"),
        ),
    )(q, kt, lp)

    s = pl.pallas_call(
        _binsel_kernel,
        grid=(B // RG,),
        in_specs=[pl.BlockSpec((RG, NB), lambda i: (i, 0))],
        out_specs=pl.BlockSpec((RG, 1), lambda i: (i, 0)),
        out_shape=jax.ShapeDtypeStruct((B, 1), jnp.float32),
        scratch_shapes=[pltpu.VMEM((RG, NB), jnp.int32)],
        compiler_params=pltpu.CompilerParams(
            dimension_semantics=("parallel",),
        ),
    )(u)

    srep = jnp.broadcast_to(s, (B, SL))
    atbl = a.reshape(B * NB, L)

    sc_out_type = [
        jax.ShapeDtypeStruct((B, CAP, L), jnp.float32),
        jax.ShapeDtypeStruct((B, CAP, L), jnp.float32),
        jax.ShapeDtypeStruct((B, CAP, L), jnp.float32),
    ]
    mesh = plsc.VectorSubcoreMesh(core_axis_name="c", subcore_axis_name="s",
                                  num_cores=NC, num_subcores=NS)
    sc_cp = pltpu.CompilerParams(needs_layout_passes=False,
                                 use_tc_tiling_on_sc=False)
    ca, cg, cgv = pl.kernel(
        _sc_body,
        out_type=sc_out_type,
        mesh=mesh,
        compiler_params=sc_cp,
        scratch_types=[
            pltpu.VMEM((NB,), jnp.float32),
            pltpu.VMEM((SL,), jnp.float32),
            pltpu.VMEM((CAP // 2,), jnp.int32),
            pltpu.VMEM((CAP // 2,), jnp.int32),
            pltpu.VMEM((CAP // 2,), jnp.int32),
            pltpu.VMEM((CAP // 2,), jnp.int32),
            pltpu.VMEM((CAP, L), jnp.float32),
            pltpu.VMEM((CAP, L), jnp.float32),
            pltpu.VMEM((CAP, L), jnp.float32),
            pltpu.SemaphoreType.DMA,
        ],
    )(u, srep, atbl, gtbl, gvtbl)

    res = pl.pallas_call(
        _final_kernel,
        grid=(B // RG,),
        in_specs=[
            pl.BlockSpec((RG, CAP * L), lambda i: (i, 0)),
            pl.BlockSpec((RG, CAP * L), lambda i: (i, 0)),
            pl.BlockSpec((RG, CAP * L), lambda i: (i, 0)),
        ],
        out_specs=pl.BlockSpec((RG, 1), lambda i: (i, 0)),
        out_shape=jax.ShapeDtypeStruct((B, 1), jnp.float32),
        scratch_shapes=[pltpu.VMEM((RG, CAP * L), jnp.int32)],
        compiler_params=pltpu.CompilerParams(
            dimension_semantics=("parallel",),
        ),
    )(ca.reshape(B, CAP * L), cg.reshape(B, CAP * L),
      cgv.reshape(B, CAP * L))

    return res.reshape(B)

# --- scband reference (transcript-rebuilt; emitter-appended) ---
"""Pipeline reference for scband-memory-73332271612496 (READ-ONLY COPY).

The authoritative reference and input builder live on the scoring server;
editing this copy changes nothing except your own understanding.
"""

import jax, jax.numpy as jnp
import numpy as np

B = 1024
KEY_DIM = 64
MEMORY_SIZE = 100000
CHOOSE_K = 128
ALPHA = 0.1
BETA = 1e-08
EPSILON = 0.001


def setup_inputs(seed: int = 0) -> dict:
    key = jax.random.key(seed)
    k1, k2 = jax.random.split(key, 2)
    q = jax.random.normal(k1, (B, KEY_DIM), dtype=jnp.float32)
    # memory state buffers (learned/updated at runtime in the torch module).
    # torch init uses zeros for keys which makes top-k degenerate; use unit-norm
    # random keys to represent a trained memory while keeping the same math.
    memory_key = jax.random.normal(k2, (MEMORY_SIZE, KEY_DIM), dtype=jnp.float32)
    memory_key = memory_key / jnp.linalg.norm(memory_key, axis=1, keepdims=True)
    memory_values = jnp.concatenate([
        jnp.ones((MEMORY_SIZE // 2,), dtype=jnp.float32),
        jnp.zeros((MEMORY_SIZE - MEMORY_SIZE // 2,), dtype=jnp.float32),
    ])
    memory_hist = jnp.full((MEMORY_SIZE,), 1e-05, dtype=jnp.float32)
    return {"q": q, "memory_key": memory_key, "memory_values": memory_values, "memory_hist": memory_hist}


def reference(q, memory_key, memory_values, memory_hist):
    # obtain_topk: full similarity scan over the memory, no label
    similarities = jnp.matmul(q, memory_key.T)  # [B, M]
    likelihood = jnp.exp(similarities - 1.0)
    prior = memory_hist[None, :] + BETA
    p_c_given_x_est = likelihood * prior
    _, k_idxs = jax.lax.top_k(p_c_given_x_est, CHOOSE_K)  # [B, K]
    # get_result: gather reduced memory and compute posterior
    red_mem_keys = memory_key[k_idxs]            # [B, K, d]
    red_mem_hist = memory_hist[k_idxs] * ALPHA   # [B, K]
    red_mem_vals = memory_values[k_idxs]         # [B, K]
    sims_k = jnp.einsum('bd,bkd->bk', q, red_mem_keys)
    like_k = jnp.exp(sims_k - 1.0)
    joint = like_k * (red_mem_hist + BETA)
    posterior = joint / jnp.sum(joint, axis=1, keepdims=True)
    result = jnp.sum(posterior * red_mem_vals, axis=1)  # [B]
    # query(): clamp into [epsilon, 1-epsilon]
    result = jnp.clip(result, EPSILON, 1.0 - EPSILON)
    return result

if __name__ == "__main__":
    import jax
    _d = setup_inputs()
    print(jax.jit(kernel)(*tuple(_d.values())))

</pallas_src>

<mosaic_0001>
#map = affine_map<(d0, d1) -> (0, 0)>
#map1 = affine_map<(d0, d1) -> (0, 0, 0)>
module attributes {stable_mosaic.version = 14 : i64} {
  func.func @_sc_body(%arg0: i32, %arg1: i32, %arg2: memref<1024x6272xf32, #tpu.memory_space<hbm>>, %arg3: memref<1024x16xf32, #tpu.memory_space<hbm>>, %arg4: memref<6422528x16xf32, #tpu.memory_space<hbm>>, %arg5: memref<6272x16xf32, #tpu.memory_space<hbm>>, %arg6: memref<6272x16xf32, #tpu.memory_space<hbm>>, %arg7: memref<1024x192x16xf32, #tpu.memory_space<hbm>>, %arg8: memref<1024x192x16xf32, #tpu.memory_space<hbm>>, %arg9: memref<1024x192x16xf32, #tpu.memory_space<hbm>>, %arg10: memref<6272xf32, #tpu.memory_space<vmem>>, %arg11: memref<16xf32, #tpu.memory_space<vmem>>, %arg12: memref<96xi32, #tpu.memory_space<vmem>>, %arg13: memref<96xi32, #tpu.memory_space<vmem>>, %arg14: memref<96xi32, #tpu.memory_space<vmem>>, %arg15: memref<96xi32, #tpu.memory_space<vmem>>, %arg16: memref<192x16xf32, #tpu.memory_space<vmem>>, %arg17: memref<192x16xf32, #tpu.memory_space<vmem>>, %arg18: memref<192x16xf32, #tpu.memory_space<vmem>>, %arg19: memref<!tpu.dma_semaphore, #tpu.memory_space<semaphore_mem>>) attributes {dimension_semantics = [#tpu.dimension_semantics<core_parallel>, #tpu.dimension_semantics<subcore_parallel>], iteration_bounds = array<i64: 2, 16>, scalar_prefetch = 0 : i64, scratch_operands = 10 : i64, tpu.core_type = #tpu.core_type<sc_vector_subcore>, window_params = [{transform_indices = #map}, {transform_indices = #map}, {transform_indices = #map}, {transform_indices = #map}, {transform_indices = #map}, {transform_indices = #map1}, {transform_indices = #map1}, {transform_indices = #map1}]} {
    %mul3A = arith.constant 2 : i32
    %mul3A_0 = arith.muli %arg1, %mul3A : i32
    %add3A = arith.addi %mul3A_0, %arg0 : i32
    %scan3A = arith.constant 0 : i32
    %scan3A_1 = arith.constant 32 : i32
    %scan3A_2 = arith.addi %scan3A, %scan3A_1 : i32
    %scan3A_3 = arith.constant 1 : i32
    scf.for %scan3A_5 = %scan3A to %scan3A_2 step %scan3A_3  : i32 {
      %mul3A_6 = arith.constant 1 : i32
      %mul3A_7 = arith.muli %scan3A_5, %mul3A_6 : i32
      %add3A_8 = arith.constant 0 : i32
      %add3A_9 = arith.addi %add3A_8, %mul3A_7 : i32
      %mul3A_10 = arith.constant 32 : i32
      %mul3A_11 = arith.muli %add3A, %mul3A_10 : i32
      %add3A_12 = arith.addi %mul3A_11, %add3A_9 : i32
      "tpu.region"() ({
        %run_scoped3A = tpu.sem_alloc : memref<!tpu.dma_semaphore, #tpu.memory_space<semaphore_mem>>
        %dma_start3A_190 = arith.constant 0 : i32
        %dma_start3A_191 = tpu.memref_slice %arg2[%add3A_12, %dma_start3A_190] : memref<1024x6272xf32, #tpu.memory_space<hbm>> -> memref<1x6272xf32, #tpu.memory_space<hbm>>
        %dma_start3A_192 = tpu.memref_squeeze %dma_start3A_191 : memref<1x6272xf32, #tpu.memory_space<hbm>> -> memref<6272xf32, #tpu.memory_space<hbm>>
        %dma_start3A_193 = arith.constant 0 : i32
        %dma_start3A_194 = tpu.memref_slice %arg2[%add3A_12, %dma_start3A_193] : memref<1024x6272xf32, #tpu.memory_space<hbm>> -> memref<1x6272xf32, #tpu.memory_space<hbm>>
        %dma_start3A_195 = tpu.memref_squeeze %dma_start3A_194 : memref<1x6272xf32, #tpu.memory_space<hbm>> -> memref<6272xf32, #tpu.memory_space<hbm>>
        tpu.enqueue_dma source(%dma_start3A_195 : memref<6272xf32, #tpu.memory_space<hbm>>) target(%arg10 : memref<6272xf32, #tpu.memory_space<vmem>>) target_semaphore(%run_scoped3A : memref<!tpu.dma_semaphore, #tpu.memory_space<semaphore_mem>>)
        %dma_wait3A_196 = arith.constant 0 : i32
        %dma_wait3A_197 = tpu.memref_slice %arg2[%add3A_12, %dma_wait3A_196] : memref<1024x6272xf32, #tpu.memory_space<hbm>> -> memref<1x6272xf32, #tpu.memory_space<hbm>>
        %dma_wait3A_198 = tpu.memref_squeeze %dma_wait3A_197 : memref<1x6272xf32, #tpu.memory_space<hbm>> -> memref<6272xf32, #tpu.memory_space<hbm>>
        %dma_wait3A_199 = arith.constant 0 : i32
        %dma_wait3A_200 = tpu.memref_slice %arg2[%add3A_12, %dma_wait3A_199] : memref<1024x6272xf32, #tpu.memory_space<hbm>> -> memref<1x6272xf32, #tpu.memory_space<hbm>>
        %dma_wait3A_201 = tpu.memref_squeeze %dma_wait3A_200 : memref<1x6272xf32, #tpu.memory_space<hbm>> -> memref<6272xf32, #tpu.memory_space<hbm>>
        tpu.wait_dma2 semaphore(%run_scoped3A : memref<!tpu.dma_semaphore, #tpu.memory_space<semaphore_mem>>) src(%dma_wait3A_201 : memref<6272xf32, #tpu.memory_space<hbm>>) dst(%arg10 : memref<6272xf32, #tpu.memory_space<vmem>>)
        tpu.yield
      }) : () -> ()
      "tpu.region"() ({
        %run_scoped3A = tpu.sem_alloc : memref<!tpu.dma_semaphore, #tpu.memory_space<semaphore_mem>>
        %dma_start3A_190 = arith.constant 0 : i32
        %dma_start3A_191 = tpu.memref_slice %arg3[%add3A_12, %dma_start3A_190] : memref<1024x16xf32, #tpu.memory_space<hbm>> -> memref<1x16xf32, #tpu.memory_space<hbm>>
        %dma_start3A_192 = tpu.memref_squeeze %dma_start3A_191 : memref<1x16xf32, #tpu.memory_space<hbm>> -> memref<16xf32, #tpu.memory_space<hbm>>
        %dma_start3A_193 = arith.constant 0 : i32
        %dma_start3A_194 = tpu.memref_slice %arg3[%add3A_12, %dma_start3A_193] : memref<1024x16xf32, #tpu.memory_space<hbm>> -> memref<1x16xf32, #tpu.memory_space<hbm>>
        %dma_start3A_195 = tpu.memref_squeeze %dma_start3A_194 : memref<1x16xf32, #tpu.memory_space<hbm>> -> memref<16xf32, #tpu.memory_space<hbm>>
        tpu.enqueue_dma source(%dma_start3A_195 : memref<16xf32, #tpu.memory_space<hbm>>) target(%arg11 : memref<16xf32, #tpu.memory_space<vmem>>) target_semaphore(%run_scoped3A : memref<!tpu.dma_semaphore, #tpu.memory_space<semaphore_mem>>)
        %dma_wait3A_196 = arith.constant 0 : i32
        %dma_wait3A_197 = tpu.memref_slice %arg3[%add3A_12, %dma_wait3A_196] : memref<1024x16xf32, #tpu.memory_space<hbm>> -> memref<1x16xf32, #tpu.memory_space<hbm>>
        %dma_wait3A_198 = tpu.memref_squeeze %dma_wait3A_197 : memref<1x16xf32, #tpu.memory_space<hbm>> -> memref<16xf32, #tpu.memory_space<hbm>>
        %dma_wait3A_199 = arith.constant 0 : i32
        %dma_wait3A_200 = tpu.memref_slice %arg3[%add3A_12, %dma_wait3A_199] : memref<1024x16xf32, #tpu.memory_space<hbm>> -> memref<1x16xf32, #tpu.memory_space<hbm>>
        %dma_wait3A_201 = tpu.memref_squeeze %dma_wait3A_200 : memref<1x16xf32, #tpu.memory_space<hbm>> -> memref<16xf32, #tpu.memory_space<hbm>>
        tpu.wait_dma2 semaphore(%run_scoped3A : memref<!tpu.dma_semaphore, #tpu.memory_space<semaphore_mem>>) src(%dma_wait3A_201 : memref<16xf32, #tpu.memory_space<hbm>>) dst(%arg11 : memref<16xf32, #tpu.memory_space<vmem>>)
        tpu.yield
      }) : () -> ()
      %broadcast_in_dim3A = arith.constant 6271 : i32
      %broadcast_in_dim3A_13 = vector.broadcast %broadcast_in_dim3A : i32 to vector<16xi32>
      %swap3A = arith.constant 0 : index
      %swap3A_14 = tpu.vector_load %arg12[%swap3A] {strides = array<i32>} : memref<96xi32, #tpu.memory_space<vmem>>, vector<16xi32>,
      tpu.vector_store %arg12[%swap3A], %broadcast_in_dim3A_13 {strides = array<i32>} : memref<96xi32, #tpu.memory_space<vmem>>, vector<16xi32>,
      %swap3A_15 = arith.constant 0 : index
      %swap3A_16 = tpu.vector_load %arg13[%swap3A_15] {strides = array<i32>} : memref<96xi32, #tpu.memory_space<vmem>>, vector<16xi32>,
      tpu.vector_store %arg13[%swap3A_15], %broadcast_in_dim3A_13 {strides = array<i32>} : memref<96xi32, #tpu.memory_space<vmem>>, vector<16xi32>,
      %swap3A_17 = arith.constant 16 : index
      %swap3A_18 = tpu.vector_load %arg12[%swap3A_17] {strides = array<i32>} : memref<96xi32, #tpu.memory_space<vmem>>, vector<16xi32>,
      tpu.vector_store %arg12[%swap3A_17], %broadcast_in_dim3A_13 {strides = array<i32>} : memref<96xi32, #tpu.memory_space<vmem>>, vector<16xi32>,
      %swap3A_19 = arith.constant 16 : index
      %swap3A_20 = tpu.vector_load %arg13[%swap3A_19] {strides = array<i32>} : memref<96xi32, #tpu.memory_space<vmem>>, vector<16xi32>,
      tpu.vector_store %arg13[%swap3A_19], %broadcast_in_dim3A_13 {strides = array<i32>} : memref<96xi32, #tpu.memory_space<vmem>>, vector<16xi32>,
      %swap3A_21 = arith.constant 32 : index
      %swap3A_22 = tpu.vector_load %arg12[%swap3A_21] {strides = array<i32>} : memref<96xi32, #tpu.memory_space<vmem>>, vector<16xi32>,
      tpu.vector_store %arg12[%swap3A_21], %broadcast_in_dim3A_13 {strides = array<i32>} : memref<96xi32, #tpu.memory_space<vmem>>, vector<16xi32>,
      %swap3A_23 = arith.constant 32 : index
      %swap3A_24 = tpu.vector_load %arg13[%swap3A_23] {strides = array<i32>} : memref<96xi32, #tpu.memory_space<vmem>>, vector<16xi32>,
      tpu.vector_store %arg13[%swap3A_23], %broadcast_in_dim3A_13 {strides = array<i32>} : memref<96xi32, #tpu.memory_space<vmem>>, vector<16xi32>,
      %swap3A_25 = arith.constant 48 : index
      %swap3A_26 = tpu.vector_load %arg12[%swap3A_25] {strides = array<i32>} : memref<96xi32, #tpu.memory_space<vmem>>, vector<16xi32>,
      tpu.vector_store %arg12[%swap3A_25], %broadcast_in_dim3A_13 {strides = array<i32>} : memref<96xi32, #tpu.memory_space<vmem>>, vector<16xi32>,
      %swap3A_27 = arith.constant 48 : index
      %swap3A_28 = tpu.vector_load %arg13[%swap3A_27] {strides = array<i32>} : memref<96xi32, #tpu.memory_space<vmem>>, vector<16xi32>,
      tpu.vector_store %arg13[%swap3A_27], %broadcast_in_dim3A_13 {strides = array<i32>} : memref<96xi32, #tpu.memory_space<vmem>>, vector<16xi32>,
      %swap3A_29 = arith.constant 64 : index
      %swap3A_30 = tpu.vector_load %arg12[%swap3A_29] {strides = array<i32>} : memref<96xi32, #tpu.memory_space<vmem>>, vector<16xi32>,
      tpu.vector_store %arg12[%swap3A_29], %broadcast_in_dim3A_13 {strides = array<i32>} : memref<96xi32, #tpu.memory_space<vmem>>, vector<16xi32>,
      %swap3A_31 = arith.constant 64 : index
      %swap3A_32 = tpu.vector_load %arg13[%swap3A_31] {strides = array<i32>} : memref<96xi32, #tpu.memory_space<vmem>>, vector<16xi32>,
      tpu.vector_store %arg13[%swap3A_31], %broadcast_in_dim3A_13 {strides = array<i32>} : memref<96xi32, #tpu.memory_space<vmem>>, vector<16xi32>,
      %swap3A_33 = arith.constant 80 : index
      %swap3A_34 = tpu.vector_load %arg12[%swap3A_33] {strides = array<i32>} : memref<96xi32, #tpu.memory_space<vmem>>, vector<16xi32>,
      tpu.vector_store %arg12[%swap3A_33], %broadcast_in_dim3A_13 {strides = array<i32>} : memref<96xi32, #tpu.memory_space<vmem>>, vector<16xi32>,
      %swap3A_35 = arith.constant 80 : index
      %swap3A_36 = tpu.vector_load %arg13[%swap3A_35] {strides = array<i32>} : memref<96xi32, #tpu.memory_space<vmem>>, vector<16xi32>,
      tpu.vector_store %arg13[%swap3A_35], %broadcast_in_dim3A_13 {strides = array<i32>} : memref<96xi32, #tpu.memory_space<vmem>>, vector<16xi32>,
      %get3A = arith.constant 0 : index
      %get3A_37 = tpu.vector_load %arg11[%get3A] {strides = array<i32>} : memref<16xf32, #tpu.memory_space<vmem>>, vector<16xf32>,
      %scan3A_38 = arith.constant 96 : i32
      %scan3A_39 = arith.constant 0 : i32
      %scan3A_40 = arith.constant 0 : i32
      %scan3A_41 = arith.constant 392 : i32
      %scan3A_42 = arith.addi %scan3A_40, %scan3A_41 : i32
      %scan3A_43 = arith.constant 1 : i32
      %scan3A_44 = scf.for %scan3A_190 = %scan3A_40 to %scan3A_42 step %scan3A_43 iter_args(%scan3A_191 = %scan3A_39) -> (i32)  : i32 {
        %mul3A_192 = arith.constant 16 : i32
        %mul3A_193 = arith.muli %scan3A_190, %mul3A_192 : i32
        %get3A_194 = arith.index_cast %mul3A_193 : i32 to index
        %get3A_195 = tpu.vector_load %arg10[%get3A_194] {strides = array<i32>} : memref<6272xf32, #tpu.memory_space<vmem>>, vector<16xf32>,
        %ge3A = arith.cmpf oge, %get3A_195, %get3A_37 : vector<16xf32>
        %convert_element_type3A = arith.extui %ge3A : vector<16xi1> to vector<16xi32>
        %broadcast_in_dim3A_196 = arith.constant true
        %broadcast_in_dim3A_197 = vector.broadcast %broadcast_in_dim3A_196 : i1 to vector<16xi1>
        %masked_cumsum3A = tpu.scan <sum>, %convert_element_type3A masked %broadcast_in_dim3A_197 : vector<16xi32>, vector<16xi1> -> vector<16xi32>
        %add3A_198 = vector.broadcast %scan3A_191 : i32 to vector<16xi32>
        %add3A_199 = arith.addi %add3A_198, %masked_cumsum3A : vector<16xi32>
        %sub3A = arith.constant 1 : i32
        %sub3A_200 = vector.broadcast %sub3A : i32 to vector<16xi32>
        %sub3A_201 = arith.subi %add3A_199, %sub3A_200 : vector<16xi32>
        %iota3A = tpu.iota {dimensions = array<i32: 0>} : vector<16xi32>
        %mul3A_202 = arith.constant 16 : i32
        %mul3A_203 = arith.muli %scan3A_190, %mul3A_202 : i32
        %add3A_204 = vector.broadcast %mul3A_203 : i32 to vector<16xi32>
        %add3A_205 = arith.addi %iota3A, %add3A_204 : vector<16xi32>
        %lt3A = vector.broadcast %scan3A_38 : i32 to vector<16xi32>
        %lt3A_206 = arith.cmpi slt, %sub3A_201, %lt3A : vector<16xi32>
        %and3A = arith.andi %ge3A, %lt3A_206 : vector<16xi1>
        %ge3A_207 = vector.broadcast %scan3A_38 : i32 to vector<16xi32>
        %ge3A_208 = arith.cmpi sge, %sub3A_201, %ge3A_207 : vector<16xi32>
        %lt3A_209 = arith.constant 192 : i32
        %lt3A_210 = vector.broadcast %lt3A_209 : i32 to vector<16xi32>
        %lt3A_211 = arith.cmpi slt, %sub3A_201, %lt3A_210 : vector<16xi32>
        %and3A_212 = arith.andi %ge3A_208, %lt3A_211 : vector<16xi1>
        %and3A_213 = arith.andi %ge3A, %and3A_212 : vector<16xi1>
        tpu.vector_store_idx %arg12[%sub3A_201], %add3A_205 masked %and3A : memref<96xi32, #tpu.memory_space<vmem>>[vector<16xi32>], vector<16xi32>, vector<16xi1>
        %sub3A_214 = vector.broadcast %scan3A_38 : i32 to vector<16xi32>
        %sub3A_215 = arith.subi %sub3A_201, %sub3A_214 : vector<16xi32>
        tpu.vector_store_idx %arg13[%sub3A_215], %add3A_205 masked %and3A_213 : memref<96xi32, #tpu.memory_space<vmem>>[vector<16xi32>], vector<16xi32>, vector<16xi1>
        %reduce_sum3A = arith.constant true
        %reduce_sum3A_216 = vector.broadcast %reduce_sum3A : i1 to vector<16xi1>
        %reduce_sum3A_217 = tpu.scan <sum>, %convert_element_type3A masked %reduce_sum3A_216 : vector<16xi32>, vector<16xi1> -> vector<16xi32>
        %reduce_sum3A_218 = vector.extract %reduce_sum3A_217[15] : i32 from vector<16xi32>
        %add3A_219 = arith.addi %scan3A_191, %reduce_sum3A_218 : i32
        scf.yield %add3A_219 : i32
      }
      %scan3A_45 = arith.constant 392 : i32
      %mul3A_46 = arith.constant 6272 : i32
      %mul3A_47 = arith.muli %add3A_12, %mul3A_46 : i32
      %get3A_48 = arith.constant 0 : index
      %get3A_49 = tpu.vector_load %arg12[%get3A_48] {strides = array<i32>} : memref<96xi32, #tpu.memory_space<vmem>>, vector<16xi32>,
      %add3A_50 = vector.broadcast %mul3A_47 : i32 to vector<16xi32>
      %add3A_51 = arith.addi %get3A_49, %add3A_50 : vector<16xi32>
      %swap3A_52 = arith.constant 0 : index
      %swap3A_53 = tpu.vector_load %arg14[%swap3A_52] {strides = array<i32>} : memref<96xi32, #tpu.memory_space<vmem>>, vector<16xi32>,
      tpu.vector_store %arg14[%swap3A_52], %add3A_51 {strides = array<i32>} : memref<96xi32, #tpu.memory_space<vmem>>, vector<16xi32>,
      %get3A_54 = arith.constant 0 : index
      %get3A_55 = tpu.vector_load %arg13[%get3A_54] {strides = array<i32>} : memref<96xi32, #tpu.memory_space<vmem>>, vector<16xi32>,
      %add3A_56 = vector.broadcast %mul3A_47 : i32 to vector<16xi32>
      %add3A_57 = arith.addi %get3A_55, %add3A_56 : vector<16xi32>
      %swap3A_58 = arith.constant 0 : index
      %swap3A_59 = tpu.vector_load %arg15[%swap3A_58] {strides = array<i32>} : memref<96xi32, #tpu.memory_space<vmem>>, vector<16xi32>,
      tpu.vector_store %arg15[%swap3A_58], %add3A_57 {strides = array<i32>} : memref<96xi32, #tpu.memory_space<vmem>>, vector<16xi32>,
      %get3A_60 = arith.constant 16 : index
      %get3A_61 = tpu.vector_load %arg12[%get3A_60] {strides = array<i32>} : memref<96xi32, #tpu.memory_space<vmem>>, vector<16xi32>,
      %add3A_62 = vector.broadcast %mul3A_47 : i32 to vector<16xi32>
      %add3A_63 = arith.addi %get3A_61, %add3A_62 : vector<16xi32>
      %swap3A_64 = arith.constant 16 : index
      %swap3A_65 = tpu.vector_load %arg14[%swap3A_64] {strides = array<i32>} : memref<96xi32, #tpu.memory_space<vmem>>, vector<16xi32>,
      tpu.vector_store %arg14[%swap3A_64], %add3A_63 {strides = array<i32>} : memref<96xi32, #tpu.memory_space<vmem>>, vector<16xi32>,
      %get3A_66 = arith.constant 16 : index
      %get3A_67 = tpu.vector_load %arg13[%get3A_66] {strides = array<i32>} : memref<96xi32, #tpu.memory_space<vmem>>, vector<16xi32>,
      %add3A_68 = vector.broadcast %mul3A_47 : i32 to vector<16xi32>
      %add3A_69 = arith.addi %get3A_67, %add3A_68 : vector<16xi32>
      %swap3A_70 = arith.constant 16 : index
      %swap3A_71 = tpu.vector_load %arg15[%swap3A_70] {strides = array<i32>} : memref<96xi32, #tpu.memory_space<vmem>>, vector<16xi32>,
      tpu.vector_store %arg15[%swap3A_70], %add3A_69 {strides = array<i32>} : memref<96xi32, #tpu.memory_space<vmem>>, vector<16xi32>,
      %get3A_72 = arith.constant 32 : index
      %get3A_73 = tpu.vector_load %arg12[%get3A_72] {strides = array<i32>} : memref<96xi32, #tpu.memory_space<vmem>>, vector<16xi32>,
      %add3A_74 = vector.broadcast %mul3A_47 : i32 to vector<16xi32>
      %add3A_75 = arith.addi %get3A_73, %add3A_74 : vector<16xi32>
      %swap3A_76 = arith.constant 32 : index
      %swap3A_77 = tpu.vector_load %arg14[%swap3A_76] {strides = array<i32>} : memref<96xi32, #tpu.memory_space<vmem>>, vector<16xi32>,
      tpu.vector_store %arg14[%swap3A_76], %add3A_75 {strides = array<i32>} : memref<96xi32, #tpu.memory_space<vmem>>, vector<16xi32>,
      %get3A_78 = arith.constant 32 : index
      %get3A_79 = tpu.vector_load %arg13[%get3A_78] {strides = array<i32>} : memref<96xi32, #tpu.memory_space<vmem>>, vector<16xi32>,
      %add3A_80 = vector.broadcast %mul3A_47 : i32 to vector<16xi32>
      %add3A_81 = arith.addi %get3A_79, %add3A_80 : vector<16xi32>
      %swap3A_82 = arith.constant 32 : index
      %swap3A_83 = tpu.vector_load %arg15[%swap3A_82] {strides = array<i32>} : memref<96xi32, #tpu.memory_space<vmem>>, vector<16xi32>,
      tpu.vector_store %arg15[%swap3A_82], %add3A_81 {strides = array<i32>} : memref<96xi32, #tpu.memory_space<vmem>>, vector<16xi32>,
      %get3A_84 = arith.constant 48 : index
      %get3A_85 = tpu.vector_load %arg12[%get3A_84] {strides = array<i32>} : memref<96xi32, #tpu.memory_space<vmem>>, vector<16xi32>,
      %add3A_86 = vector.broadcast %mul3A_47 : i32 to vector<16xi32>
      %add3A_87 = arith.addi %get3A_85, %add3A_86 : vector<16xi32>
      %swap3A_88 = arith.constant 48 : index
      %swap3A_89 = tpu.vector_load %arg14[%swap3A_88] {strides = array<i32>} : memref<96xi32, #tpu.memory_space<vmem>>, vector<16xi32>,
      tpu.vector_store %arg14[%swap3A_88], %add3A_87 {strides = array<i32>} : memref<96xi32, #tpu.memory_space<vmem>>, vector<16xi32>,
      %get3A_90 = arith.constant 48 : index
      %get3A_91 = tpu.vector_load %arg13[%get3A_90] {strides = array<i32>} : memref<96xi32, #tpu.memory_space<vmem>>, vector<16xi32>,
      %add3A_92 = vector.broadcast %mul3A_47 : i32 to vector<16xi32>
      %add3A_93 = arith.addi %get3A_91, %add3A_92 : vector<16xi32>
      %swap3A_94 = arith.constant 48 : index
      %swap3A_95 = tpu.vector_load %arg15[%swap3A_94] {strides = array<i32>} : memref<96xi32, #tpu.memory_space<vmem>>, vector<16xi32>,
      tpu.vector_store %arg15[%swap3A_94], %add3A_93 {strides = array<i32>} : memref<96xi32, #tpu.memory_space<vmem>>, vector<16xi32>,
      %get3A_96 = arith.constant 64 : index
      %get3A_97 = tpu.vector_load %arg12[%get3A_96] {strides = array<i32>} : memref<96xi32, #tpu.memory_space<vmem>>, vector<16xi32>,
      %add3A_98 = vector.broadcast %mul3A_47 : i32 to vector<16xi32>
      %add3A_99 = arith.addi %get3A_97, %add3A_98 : vector<16xi32>
      %swap3A_100 = arith.constant 64 : index
      %swap3A_101 = tpu.vector_load %arg14[%swap3A_100] {strides = array<i32>} : memref<96xi32, #tpu.memory_space<vmem>>, vector<16xi32>,
      tpu.vector_store %arg14[%swap3A_100], %add3A_99 {strides = array<i32>} : memref<96xi32, #tpu.memory_space<vmem>>, vector<16xi32>,
      %get3A_102 = arith.constant 64 : index
      %get3A_103 = tpu.vector_load %arg13[%get3A_102] {strides = array<i32>} : memref<96xi32, #tpu.memory_space<vmem>>, vector<16xi32>,
      %add3A_104 = vector.broadcast %mul3A_47 : i32 to vector<16xi32>
      %add3A_105 = arith.addi %get3A_103, %add3A_104 : vector<16xi32>
      %swap3A_106 = arith.constant 64 : index
      %swap3A_107 = tpu.vector_load %arg15[%swap3A_106] {strides = array<i32>} : memref<96xi32, #tpu.memory_space<vmem>>, vector<16xi32>,
      tpu.vector_store %arg15[%swap3A_106], %add3A_105 {strides = array<i32>} : memref<96xi32, #tpu.memory_space<vmem>>, vector<16xi32>,
      %get3A_108 = arith.constant 80 : index
      %get3A_109 = tpu.vector_load %arg12[%get3A_108] {strides = array<i32>} : memref<96xi32, #tpu.memory_space<vmem>>, vector<16xi32>,
      %add3A_110 = vector.broadcast %mul3A_47 : i32 to vector<16xi32>
      %add3A_111 = arith.addi %get3A_109, %add3A_110 : vector<16xi32>
      %swap3A_112 = arith.constant 80 : index
      %swap3A_113 = tpu.vector_load %arg14[%swap3A_112] {strides = array<i32>} : memref<96xi32, #tpu.memory_space<vmem>>, vector<16xi32>,
      tpu.vector_store %arg14[%swap3A_112], %add3A_111 {strides = array<i32>} : memref<96xi32, #tpu.memory_space<vmem>>, vector<16xi32>,
      %get3A_114 = arith.constant 80 : index
      %get3A_115 = tpu.vector_load %arg13[%get3A_114] {strides = array<i32>} : memref<96xi32, #tpu.memory_space<vmem>>, vector<16xi32>,
      %add3A_116 = vector.broadcast %mul3A_47 : i32 to vector<16xi32>
      %add3A_117 = arith.addi %get3A_115, %add3A_116 : vector<16xi32>
      %swap3A_118 = arith.constant 80 : index
      %swap3A_119 = tpu.vector_load %arg15[%swap3A_118] {strides = array<i32>} : memref<96xi32, #tpu.memory_space<vmem>>, vector<16xi32>,
      tpu.vector_store %arg15[%swap3A_118], %add3A_117 {strides = array<i32>} : memref<96xi32, #tpu.memory_space<vmem>>, vector<16xi32>,
      %dma_start3A = arith.constant 0 : i32
      %dma_start3A_120 = arith.constant 0 : i32
      %dma_start3A_121 = tpu.memref_slice %arg16[%dma_start3A, %dma_start3A_120] : memref<192x16xf32, #tpu.memory_space<vmem>> -> memref<96x16xf32, #tpu.memory_space<vmem>>
      %dma_start3A_122 = arith.constant 0 : i32
      %dma_start3A_123 = arith.constant 0 : i32
      %dma_start3A_124 = tpu.memref_slice %arg4[%dma_start3A_122, %dma_start3A_123] : memref<6422528x16xf32, #tpu.memory_space<hbm>> -> memref<6422528x16xf32, #tpu.memory_space<hbm>>
      tpu.enqueue_indirect_dma source(%dma_start3A_124 : memref<6422528x16xf32, #tpu.memory_space<hbm>>) target(%dma_start3A_121 : memref<96x16xf32, #tpu.memory_space<vmem>>) offsets(%arg14 : memref<96xi32, #tpu.memory_space<vmem>>) semaphore(%arg19 : memref<!tpu.dma_semaphore, #tpu.memory_space<semaphore_mem>>)
      %dma_start3A_125 = arith.constant 96 : i32
      %dma_start3A_126 = arith.constant 0 : i32
      %dma_start3A_127 = tpu.memref_slice %arg16[%dma_start3A_125, %dma_start3A_126] : memref<192x16xf32, #tpu.memory_space<vmem>> -> memref<96x16xf32, #tpu.memory_space<vmem>>
      %dma_start3A_128 = arith.constant 0 : i32
      %dma_start3A_129 = arith.constant 0 : i32
      %dma_start3A_130 = tpu.memref_slice %arg4[%dma_start3A_128, %dma_start3A_129] : memref<6422528x16xf32, #tpu.memory_space<hbm>> -> memref<6422528x16xf32, #tpu.memory_space<hbm>>
      tpu.enqueue_indirect_dma source(%dma_start3A_130 : memref<6422528x16xf32, #tpu.memory_space<hbm>>) target(%dma_start3A_127 : memref<96x16xf32, #tpu.memory_space<vmem>>) offsets(%arg15 : memref<96xi32, #tpu.memory_space<vmem>>) semaphore(%arg19 : memref<!tpu.dma_semaphore, #tpu.memory_space<semaphore_mem>>)
      %dma_start3A_131 = arith.constant 0 : i32
      %dma_start3A_132 = arith.constant 0 : i32
      %dma_start3A_133 = tpu.memref_slice %arg17[%dma_start3A_131, %dma_start3A_132] : memref<192x16xf32, #tpu.memory_space<vmem>> -> memref<96x16xf32, #tpu.memory_space<vmem>>
      %dma_start3A_134 = arith.constant 0 : i32
      %dma_start3A_135 = arith.constant 0 : i32
      %dma_start3A_136 = tpu.memref_slice %arg5[%dma_start3A_134, %dma_start3A_135] : memref<6272x16xf32, #tpu.memory_space<hbm>> -> memref<6272x16xf32, #tpu.memory_space<hbm>>
      tpu.enqueue_indirect_dma source(%dma_start3A_136 : memref<6272x16xf32, #tpu.memory_space<hbm>>) target(%dma_start3A_133 : memref<96x16xf32, #tpu.memory_space<vmem>>) offsets(%arg12 : memref<96xi32, #tpu.memory_space<vmem>>) semaphore(%arg19 : memref<!tpu.dma_semaphore, #tpu.memory_space<semaphore_mem>>)
      %dma_start3A_137 = arith.constant 96 : i32
      %dma_start3A_138 = arith.constant 0 : i32
      %dma_start3A_139 = tpu.memref_slice %arg17[%dma_start3A_137, %dma_start3A_138] : memref<192x16xf32, #tpu.memory_space<vmem>> -> memref<96x16xf32, #tpu.memory_space<vmem>>
      %dma_start3A_140 = arith.constant 0 : i32
      %dma_start3A_141 = arith.constant 0 : i32
      %dma_start3A_142 = tpu.memref_slice %arg5[%dma_start3A_140, %dma_start3A_141] : memref<6272x16xf32, #tpu.memory_space<hbm>> -> memref<6272x16xf32, #tpu.memory_space<hbm>>
      tpu.enqueue_indirect_dma source(%dma_start3A_142 : memref<6272x16xf32, #tpu.memory_space<hbm>>) target(%dma_start3A_139 : memref<96x16xf32, #tpu.memory_space<vmem>>) offsets(%arg13 : memref<96xi32, #tpu.memory_space<vmem>>) semaphore(%arg19 : memref<!tpu.dma_semaphore, #tpu.memory_space<semaphore_mem>>)
      %dma_start3A_143 = arith.constant 0 : i32
      %dma_start3A_144 = arith.constant 0 : i32
      %dma_start3A_145 = tpu.memref_slice %arg18[%dma_start3A_143, %dma_start3A_144] : memref<192x16xf32, #tpu.memory_space<vmem>> -> memref<96x16xf32, #tpu.memory_space<vmem>>
      %dma_start3A_146 = arith.constant 0 : i32
      %dma_start3A_147 = arith.constant 0 : i32
      %dma_start3A_148 = tpu.memref_slice %arg6[%dma_start3A_146, %dma_start3A_147] : memref<6272x16xf32, #tpu.memory_space<hbm>> -> memref<6272x16xf32, #tpu.memory_space<hbm>>
      tpu.enqueue_indirect_dma source(%dma_start3A_148 : memref<6272x16xf32, #tpu.memory_space<hbm>>) target(%dma_start3A_145 : memref<96x16xf32, #tpu.memory_space<vmem>>) offsets(%arg12 : memref<96xi32, #tpu.memory_space<vmem>>) semaphore(%arg19 : memref<!tpu.dma_semaphore, #tpu.memory_space<semaphore_mem>>)
      %dma_start3A_149 = arith.constant 96 : i32
      %dma_start3A_150 = arith.constant 0 : i32
      %dma_start3A_151 = tpu.memref_slice %arg18[%dma_start3A_149, %dma_start3A_150] : memref<192x16xf32, #tpu.memory_space<vmem>> -> memref<96x16xf32, #tpu.memory_space<vmem>>
      %dma_start3A_152 = arith.constant 0 : i32
      %dma_start3A_153 = arith.constant 0 : i32
      %dma_start3A_154 = tpu.memref_slice %arg6[%dma_start3A_152, %dma_start3A_153] : memref<6272x16xf32, #tpu.memory_space<hbm>> -> memref<6272x16xf32, #tpu.memory_space<hbm>>
      tpu.enqueue_indirect_dma source(%dma_start3A_154 : memref<6272x16xf32, #tpu.memory_space<hbm>>) target(%dma_start3A_151 : memref<96x16xf32, #tpu.memory_space<vmem>>) offsets(%arg13 : memref<96xi32, #tpu.memory_space<vmem>>) semaphore(%arg19 : memref<!tpu.dma_semaphore, #tpu.memory_space<semaphore_mem>>)
      %dma_wait3A = arith.constant 0 : i32
      %dma_wait3A_155 = arith.constant 0 : i32
      %dma_wait3A_156 = tpu.memref_slice %arg16[%dma_wait3A, %dma_wait3A_155] : memref<192x16xf32, #tpu.memory_space<vmem>> -> memref<96x16xf32, #tpu.memory_space<vmem>>
      %dma_wait3A_157 = arith.constant 0 : i32
      %dma_wait3A_158 = arith.constant 0 : i32
      %dma_wait3A_159 = tpu.memref_slice %arg4[%dma_wait3A_157, %dma_wait3A_158] : memref<6422528x16xf32, #tpu.memory_space<hbm>> -> memref<6422528x16xf32, #tpu.memory_space<hbm>>
      tpu.wait_indirect_dma semaphore(%arg19 : memref<!tpu.dma_semaphore, #tpu.memory_space<semaphore_mem>>) src(%dma_wait3A_159 : memref<6422528x16xf32, #tpu.memory_space<hbm>>) dst(%dma_wait3A_156 : memref<96x16xf32, #tpu.memory_space<vmem>>)
      %dma_wait3A_160 = arith.constant 96 : i32
      %dma_wait3A_161 = arith.constant 0 : i32
      %dma_wait3A_162 = tpu.memref_slice %arg16[%dma_wait3A_160, %dma_wait3A_161] : memref<192x16xf32, #tpu.memory_space<vmem>> -> memref<96x16xf32, #tpu.memory_space<vmem>>
      %dma_wait3A_163 = arith.constant 0 : i32
      %dma_wait3A_164 = arith.constant 0 : i32
      %dma_wait3A_165 = tpu.memref_slice %arg4[%dma_wait3A_163, %dma_wait3A_164] : memref<6422528x16xf32, #tpu.memory_space<hbm>> -> memref<6422528x16xf32, #tpu.memory_space<hbm>>
      tpu.wait_indirect_dma semaphore(%arg19 : memref<!tpu.dma_semaphore, #tpu.memory_space<semaphore_mem>>) src(%dma_wait3A_165 : memref<6422528x16xf32, #tpu.memory_space<hbm>>) dst(%dma_wait3A_162 : memref<96x16xf32, #tpu.memory_space<vmem>>)
      %dma_wait3A_166 = arith.constant 0 : i32
      %dma_wait3A_167 = arith.constant 0 : i32
      %dma_wait3A_168 = tpu.memref_slice %arg17[%dma_wait3A_166, %dma_wait3A_167] : memref<192x16xf32, #tpu.memory_space<vmem>> -> memref<96x16xf32, #tpu.memory_space<vmem>>
      %dma_wait3A_169 = arith.constant 0 : i32
      %dma_wait3A_170 = arith.constant 0 : i32
      %dma_wait3A_171 = tpu.memref_slice %arg5[%dma_wait3A_169, %dma_wait3A_170] : memref<6272x16xf32, #tpu.memory_space<hbm>> -> memref<6272x16xf32, #tpu.memory_space<hbm>>
      tpu.wait_indirect_dma semaphore(%arg19 : memref<!tpu.dma_semaphore, #tpu.memory_space<semaphore_mem>>) src(%dma_wait3A_171 : memref<6272x16xf32, #tpu.memory_space<hbm>>) dst(%dma_wait3A_168 : memref<96x16xf32, #tpu.memory_space<vmem>>)
      %dma_wait3A_172 = arith.constant 96 : i32
      %dma_wait3A_173 = arith.constant 0 : i32
      %dma_wait3A_174 = tpu.memref_slice %arg17[%dma_wait3A_172, %dma_wait3A_173] : memref<192x16xf32, #tpu.memory_space<vmem>> -> memref<96x16xf32, #tpu.memory_space<vmem>>
      %dma_wait3A_175 = arith.constant 0 : i32
      %dma_wait3A_176 = arith.constant 0 : i32
      %dma_wait3A_177 = tpu.memref_slice %arg5[%dma_wait3A_175, %dma_wait3A_176] : memref<6272x16xf32, #tpu.memory_space<hbm>> -> memref<6272x16xf32, #tpu.memory_space<hbm>>
      tpu.wait_indirect_dma semaphore(%arg19 : memref<!tpu.dma_semaphore, #tpu.memory_space<semaphore_mem>>) src(%dma_wait3A_177 : memref<6272x16xf32, #tpu.memory_space<hbm>>) dst(%dma_wait3A_174 : memref<96x16xf32, #tpu.memory_space<vmem>>)
      %dma_wait3A_178 = arith.constant 0 : i32
      %dma_wait3A_179 = arith.constant 0 : i32
      %dma_wait3A_180 = tpu.memref_slice %arg18[%dma_wait3A_178, %dma_wait3A_179] : memref<192x16xf32, #tpu.memory_space<vmem>> -> memref<96x16xf32, #tpu.memory_space<vmem>>
      %dma_wait3A_181 = arith.constant 0 : i32
      %dma_wait3A_182 = arith.constant 0 : i32
      %dma_wait3A_183 = tpu.memref_slice %arg6[%dma_wait3A_181, %dma_wait3A_182] : memref<6272x16xf32, #tpu.memory_space<hbm>> -> memref<6272x16xf32, #tpu.memory_space<hbm>>
      tpu.wait_indirect_dma semaphore(%arg19 : memref<!tpu.dma_semaphore, #tpu.memory_space<semaphore_mem>>) src(%dma_wait3A_183 : memref<6272x16xf32, #tpu.memory_space<hbm>>) dst(%dma_wait3A_180 : memref<96x16xf32, #tpu.memory_space<vmem>>)
      %dma_wait3A_184 = arith.constant 96 : i32
      %dma_wait3A_185 = arith.constant 0 : i32
      %dma_wait3A_186 = tpu.memref_slice %arg18[%dma_wait3A_184, %dma_wait3A_185] : memref<192x16xf32, #tpu.memory_space<vmem>> -> memref<96x16xf32, #tpu.memory_space<vmem>>
      %dma_wait3A_187 = arith.constant 0 : i32
      %dma_wait3A_188 = arith.constant 0 : i32
      %dma_wait3A_189 = tpu.memref_slice %arg6[%dma_wait3A_187, %dma_wait3A_188] : memref<6272x16xf32, #tpu.memory_space<hbm>> -> memref<6272x16xf32, #tpu.memory_space<hbm>>
      tpu.wait_indirect_dma semaphore(%arg19 : memref<!tpu.dma_semaphore, #tpu.memory_space<semaphore_mem>>) src(%dma_wait3A_189 : memref<6272x16xf32, #tpu.memory_space<hbm>>) dst(%dma_wait3A_186 : memref<96x16xf32, #tpu.memory_space<vmem>>)
      "tpu.region"() ({
        %run_scoped3A = tpu.sem_alloc : memref<!tpu.dma_semaphore, #tpu.memory_space<semaphore_mem>>
        %dma_start3A_190 = arith.constant 0 : i32
        %dma_start3A_191 = arith.constant 0 : i32
        %dma_start3A_192 = tpu.memref_slice %arg7[%add3A_12, %dma_start3A_190, %dma_start3A_191] : memref<1024x192x16xf32, #tpu.memory_space<hbm>> -> memref<1x192x16xf32, #tpu.memory_space<hbm>>
        %dma_start3A_193 = tpu.memref_squeeze %dma_start3A_192 : memref<1x192x16xf32, #tpu.memory_space<hbm>> -> memref<192x16xf32, #tpu.memory_space<hbm>>
        %dma_start3A_194 = arith.constant 0 : i32
        %dma_start3A_195 = arith.constant 0 : i32
        %dma_start3A_196 = tpu.memref_slice %arg7[%add3A_12, %dma_start3A_194, %dma_start3A_195] : memref<1024x192x16xf32, #tpu.memory_space<hbm>> -> memref<1x192x16xf32, #tpu.memory_space<hbm>>
        %dma_start3A_197 = tpu.memref_squeeze %dma_start3A_196 : memref<1x192x16xf32, #tpu.memory_space<hbm>> -> memref<192x16xf32, #tpu.memory_space<hbm>>
        tpu.enqueue_dma source(%arg16 : memref<192x16xf32, #tpu.memory_space<vmem>>) target(%dma_start3A_197 : memref<192x16xf32, #tpu.memory_space<hbm>>) target_semaphore(%run_scoped3A : memref<!tpu.dma_semaphore, #tpu.memory_space<semaphore_mem>>)
        %dma_wait3A_198 = arith.constant 0 : i32
        %dma_wait3A_199 = arith.constant 0 : i32
        %dma_wait3A_200 = tpu.memref_slice %arg7[%add3A_12, %dma_wait3A_198, %dma_wait3A_199] : memref<1024x192x16xf32, #tpu.memory_space<hbm>> -> memref<1x192x16xf32, #tpu.memory_space<hbm>>
        %dma_wait3A_201 = tpu.memref_squeeze %dma_wait3A_200 : memref<1x192x16xf32, #tpu.memory_space<hbm>> -> memref<192x16xf32, #tpu.memory_space<hbm>>
        %dma_wait3A_202 = arith.constant 0 : i32
        %dma_wait3A_203 = arith.constant 0 : i32
        %dma_wait3A_204 = tpu.memref_slice %arg7[%add3A_12, %dma_wait3A_202, %dma_wait3A_203] : memref<1024x192x16xf32, #tpu.memory_space<hbm>> -> memref<1x192x16xf32, #tpu.memory_space<hbm>>
        %dma_wait3A_205 = tpu.memref_squeeze %dma_wait3A_204 : memref<1x192x16xf32, #tpu.memory_space<hbm>> -> memref<192x16xf32, #tpu.memory_space<hbm>>
        tpu.wait_dma2 semaphore(%run_scoped3A : memref<!tpu.dma_semaphore, #tpu.memory_space<semaphore_mem>>) src(%arg16 : memref<192x16xf32, #tpu.memory_space<vmem>>) dst(%dma_wait3A_205 : memref<192x16xf32, #tpu.memory_space<hbm>>)
        tpu.yield
      }) : () -> ()
      "tpu.region"() ({
        %run_scoped3A = tpu.sem_alloc : memref<!tpu.dma_semaphore, #tpu.memory_space<semaphore_mem>>
        %dma_start3A_190 = arith.constant 0 : i32
        %dma_start3A_191 = arith.constant 0 : i32
        %dma_start3A_192 = tpu.memref_slice %arg8[%add3A_12, %dma_start3A_190, %dma_start3A_191] : memref<1024x192x16xf32, #tpu.memory_space<hbm>> -> memref<1x192x16xf32, #tpu.memory_space<hbm>>
        %dma_start3A_193 = tpu.memref_squeeze %dma_start3A_192 : memref<1x192x16xf32, #tpu.memory_space<hbm>> -> memref<192x16xf32, #tpu.memory_space<hbm>>
        %dma_start3A_194 = arith.constant 0 : i32
        %dma_start3A_195 = arith.constant 0 : i32
        %dma_start3A_196 = tpu.memref_slice %arg8[%add3A_12, %dma_start3A_194, %dma_start3A_195] : memref<1024x192x16xf32, #tpu.memory_space<hbm>> -> memref<1x192x16xf32, #tpu.memory_space<hbm>>
        %dma_start3A_197 = tpu.memref_squeeze %dma_start3A_196 : memref<1x192x16xf32, #tpu.memory_space<hbm>> -> memref<192x16xf32, #tpu.memory_space<hbm>>
        tpu.enqueue_dma source(%arg17 : memref<192x16xf32, #tpu.memory_space<vmem>>) target(%dma_start3A_197 : memref<192x16xf32, #tpu.memory_space<hbm>>) target_semaphore(%run_scoped3A : memref<!tpu.dma_semaphore, #tpu.memory_space<semaphore_mem>>)
        %dma_wait3A_198 = arith.constant 0 : i32
        %dma_wait3A_199 = arith.constant 0 : i32
        %dma_wait3A_200 = tpu.memref_slice %arg8[%add3A_12, %dma_wait3A_198, %dma_wait3A_199] : memref<1024x192x16xf32, #tpu.memory_space<hbm>> -> memref<1x192x16xf32, #tpu.memory_space<hbm>>
        %dma_wait3A_201 = tpu.memref_squeeze %dma_wait3A_200 : memref<1x192x16xf32, #tpu.memory_space<hbm>> -> memref<192x16xf32, #tpu.memory_space<hbm>>
        %dma_wait3A_202 = arith.constant 0 : i32
        %dma_wait3A_203 = arith.constant 0 : i32
        %dma_wait3A_204 = tpu.memref_slice %arg8[%add3A_12, %dma_wait3A_202, %dma_wait3A_203] : memref<1024x192x16xf32, #tpu.memory_space<hbm>> -> memref<1x192x16xf32, #tpu.memory_space<hbm>>
        %dma_wait3A_205 = tpu.memref_squeeze %dma_wait3A_204 : memref<1x192x16xf32, #tpu.memory_space<hbm>> -> memref<192x16xf32, #tpu.memory_space<hbm>>
        tpu.wait_dma2 semaphore(%run_scoped3A : memref<!tpu.dma_semaphore, #tpu.memory_space<semaphore_mem>>) src(%arg17 : memref<192x16xf32, #tpu.memory_space<vmem>>) dst(%dma_wait3A_205 : memref<192x16xf32, #tpu.memory_space<hbm>>)
        tpu.yield
      }) : () -> ()
      "tpu.region"() ({
        %run_scoped3A = tpu.sem_alloc : memref<!tpu.dma_semaphore, #tpu.memory_space<semaphore_mem>>
        %dma_start3A_190 = arith.constant 0 : i32
        %dma_start3A_191 = arith.constant 0 : i32
        %dma_start3A_192 = tpu.memref_slice %arg9[%add3A_12, %dma_start3A_190, %dma_start3A_191] : memref<1024x192x16xf32, #tpu.memory_space<hbm>> -> memref<1x192x16xf32, #tpu.memory_space<hbm>>
        %dma_start3A_193 = tpu.memref_squeeze %dma_start3A_192 : memref<1x192x16xf32, #tpu.memory_space<hbm>> -> memref<192x16xf32, #tpu.memory_space<hbm>>
        %dma_start3A_194 = arith.constant 0 : i32
        %dma_start3A_195 = arith.constant 0 : i32
        %dma_start3A_196 = tpu.memref_slice %arg9[%add3A_12, %dma_start3A_194, %dma_start3A_195] : memref<1024x192x16xf32, #tpu.memory_space<hbm>> -> memref<1x192x16xf32, #tpu.memory_space<hbm>>
        %dma_start3A_197 = tpu.memref_squeeze %dma_start3A_196 : memref<1x192x16xf32, #tpu.memory_space<hbm>> -> memref<192x16xf32, #tpu.memory_space<hbm>>
        tpu.enqueue_dma source(%arg18 : memref<192x16xf32, #tpu.memory_space<vmem>>) target(%dma_start3A_197 : memref<192x16xf32, #tpu.memory_space<hbm>>) target_semaphore(%run_scoped3A : memref<!tpu.dma_semaphore, #tpu.memory_space<semaphore_mem>>)
        %dma_wait3A_198 = arith.constant 0 : i32
        %dma_wait3A_199 = arith.constant 0 : i32
        %dma_wait3A_200 = tpu.memref_slice %arg9[%add3A_12, %dma_wait3A_198, %dma_wait3A_199] : memref<1024x192x16xf32, #tpu.memory_space<hbm>> -> memref<1x192x16xf32, #tpu.memory_space<hbm>>
        %dma_wait3A_201 = tpu.memref_squeeze %dma_wait3A_200 : memref<1x192x16xf32, #tpu.memory_space<hbm>> -> memref<192x16xf32, #tpu.memory_space<hbm>>
        %dma_wait3A_202 = arith.constant 0 : i32
        %dma_wait3A_203 = arith.constant 0 : i32
        %dma_wait3A_204 = tpu.memref_slice %arg9[%add3A_12, %dma_wait3A_202, %dma_wait3A_203] : memref<1024x192x16xf32, #tpu.memory_space<hbm>> -> memref<1x192x16xf32, #tpu.memory_space<hbm>>
        %dma_wait3A_205 = tpu.memref_squeeze %dma_wait3A_204 : memref<1x192x16xf32, #tpu.memory_space<hbm>> -> memref<192x16xf32, #tpu.memory_space<hbm>>
        tpu.wait_dma2 semaphore(%run_scoped3A : memref<!tpu.dma_semaphore, #tpu.memory_space<semaphore_mem>>) src(%arg18 : memref<192x16xf32, #tpu.memory_space<vmem>>) dst(%dma_wait3A_205 : memref<192x16xf32, #tpu.memory_space<hbm>>)
        tpu.yield
      }) : () -> ()
    }
    %scan3A_4 = arith.constant 32 : i32
    return
  }
}

module attributes {stable_mosaic.version = 14 : i64} {
  func.func @_score_kernel(%arg0: i32, %arg1: i32, %arg2: memref<256x64xf32, #tpu.memory_space<vmem>>, %arg3: memref<64x2048xf32, #tpu.memory_space<vmem>>, %arg4: memref<1x2048xf32, #tpu.memory_space<vmem>>, %arg5: memref<256x2048xf32, #tpu.memory_space<vmem>>, %arg6: memref<256x128xf32, #tpu.memory_space<vmem>>) attributes {dimension_semantics = [#tpu.dimension_semantics<parallel>, #tpu.dimension_semantics<arbitrary>], iteration_bounds = array<i64: 4, 49>, scalar_prefetch = 0 : i64, scratch_operands = 0 : i64, tpu.core_type = #tpu.core_type<tc>, window_params = [{transform_indices = @transform_0, window_bounds = array<i64: 256, 64>}, {transform_indices = @transform_1, window_bounds = array<i64: 64, 2048>}, {transform_indices = @transform_2, window_bounds = array<i64: 1, 2048>}, {transform_indices = @transform_3, window_bounds = array<i64: 256, 2048>}, {transform_indices = @transform_4, window_bounds = array<i64: 256, 128>}]} {
    %get3A = arith.constant 0 : index
    %get3A_0 = arith.constant 0 : index
    %get3A_1 = vector.load %arg2[%get3A, %get3A_0] : memref<256x64xf32, #tpu.memory_space<vmem>>, vector<256x64xf32>
    %get3A_2 = arith.constant 0 : index
    %get3A_3 = arith.constant 0 : index
    %get3A_4 = vector.load %arg3[%get3A_2, %get3A_3] : memref<64x2048xf32, #tpu.memory_space<vmem>>, vector<64x2048xf32>
    %dot_general3A = arith.constant dense<0.000000e+00> : vector<256x2048xf32>
    %dot_general3A_5 = tpu.matmul %get3A_1, %get3A_4, %dot_general3A {dimension_numbers = #tpu.dot_dimension_numbers<[1], [0], [0], [1], [0, 0, 1, 1], [], []>, transpose_lhs_hint = false} : vector<256x64xf32>, vector<64x2048xf32>, vector<256x2048xf32> -> vector<256x2048xf32>
    %mul3A = arith.constant 2048 : i32
    %mul3A_6 = arith.muli %arg1, %mul3A : i32
    %iota3A = tpu.iota {dimensions = array<i32: 1>} : vector<256x2048xi32>
    %add3A = vector.broadcast %mul3A_6 : i32 to vector<256x2048xi32>
    %add3A_7 = arith.addi %add3A, %iota3A : vector<256x2048xi32>
    %lt3A = arith.constant 100000 : i32
    %lt3A_8 = vector.broadcast %lt3A : i32 to vector<256x2048xi32>
    %lt3A_9 = arith.cmpi slt, %add3A_7, %lt3A_8 : vector<256x2048xi32>
    %get3A_10 = arith.constant 0 : index
    %get3A_11 = arith.constant 0 : index
    %get3A_12 = vector.load %arg4[%get3A_10, %get3A_11] : memref<1x2048xf32, #tpu.memory_space<vmem>>, vector<1x2048xf32>
    %add3A_13 = vector.broadcast %get3A_12 : vector<1x2048xf32> to vector<256x2048xf32>
    %add3A_14 = arith.addf %dot_general3A_5, %add3A_13 : vector<256x2048xf32>
    %jit3A = arith.constant -1.000000e+30 : f32
    %broadcast_in_dim3A = vector.broadcast %jit3A : f32 to vector<256x2048xf32>
    %select_n3A = arith.select %lt3A_9, %add3A_14, %broadcast_in_dim3A : vector<256x2048xi1>, vector<256x2048xf32>
    %swap3A = arith.constant 0 : index
    %swap3A_15 = arith.constant 0 : index
    %swap3A_16 = vector.load %arg5[%swap3A, %swap3A_15] : memref<256x2048xf32, #tpu.memory_space<vmem>>, vector<256x2048xf32>
    tpu.vector_store %arg5[%swap3A, %swap3A_15], %select_n3A {strides = array<i32>} : memref<256x2048xf32, #tpu.memory_space<vmem>>, vector<256x2048xf32>,
    %reshape3A = vector.shape_cast %select_n3A : vector<256x2048xf32> to vector<256x128x16xf32>
    %reduce_max3A = arith.constant dense<0xFF800000> : vector<256x128xf32>
    %reduce_max3A_17 = vector.multi_reduction <maximumf>, %reshape3A, %reduce_max3A [2] : vector<256x128x16xf32> to vector<256x128xf32>
    %swap3A_18 = arith.constant 0 : index
    %swap3A_19 = arith.constant 0 : index
    %swap3A_20 = vector.load %arg6[%swap3A_18, %swap3A_19] : memref<256x128xf32, #tpu.memory_space<vmem>>, vector<256x128xf32>
    tpu.vector_store %arg6[%swap3A_18, %swap3A_19], %reduce_max3A_17 {strides = array<i32>} : memref<256x128xf32, #tpu.memory_space<vmem>>, vector<256x128xf32>,
    return
  }
  func.func @transform_0(%arg0: i32, %arg1: i32) -> (i32, i32) {
    %c0_i32 = arith.constant 0 : i32
    %c0_i32_0 = arith.constant 0 : i32
    return %arg0, %c0_i32 : i32, i32
  }
  func.func @transform_1(%arg0: i32, %arg1: i32) -> (i32, i32) {
    %c0_i32 = arith.constant 0 : i32
    %c0_i32_0 = arith.constant 0 : i32
    return %c0_i32, %arg1 : i32, i32
  }
  func.func @transform_2(%arg0: i32, %arg1: i32) -> (i32, i32) {
    %c0_i32 = arith.constant 0 : i32
    %c0_i32_0 = arith.constant 0 : i32
    return %c0_i32, %arg1 : i32, i32
  }
  func.func @transform_3(%arg0: i32, %arg1: i32) -> (i32, i32) {
    %c0_i32 = arith.constant 0 : i32
    return %arg0, %arg1 : i32, i32
  }
  func.func @transform_4(%arg0: i32, %arg1: i32) -> (i32, i32) {
    %c0_i32 = arith.constant 0 : i32
    return %arg0, %arg1 : i32, i32
  }
}

module attributes {stable_mosaic.version = 14 : i64} {
  func.func @_binsel_kernel(%arg0: i32, %arg1: memref<8x6272xf32, #tpu.memory_space<vmem>>, %arg2: memref<8x1xf32, #tpu.memory_space<vmem>>, %arg3: memref<8x6272xi32, #tpu.memory_space<vmem>>) attributes {dimension_semantics = [#tpu.dimension_semantics<parallel>], iteration_bounds = array<i64: 128>, scalar_prefetch = 0 : i64, scratch_operands = 1 : i64, tpu.core_type = #tpu.core_type<tc>, window_params = [{transform_indices = @transform_0, window_bounds = array<i64: 8, 6272>}, {transform_indices = @transform_1, window_bounds = array<i64: 8, 1>}]} {
    %get3A = arith.constant 0 : index
    %get3A_0 = arith.constant 0 : index
    %get3A_1 = vector.load %arg1[%get3A, %get3A_0] : memref<8x6272xf32, #tpu.memory_space<vmem>>, vector<8x896xf32>
    %bitcast_convert_type3A = tpu.bitcast %get3A_1 : vector<8x896xf32> -> vector<8x896xi32>
    %ge3A = arith.constant 0 : i32
    %ge3A_2 = vector.broadcast %ge3A : i32 to vector<8x896xi32>
    %ge3A_3 = arith.cmpi sge, %bitcast_convert_type3A, %ge3A_2 : vector<8x896xi32>
    %xor3A = arith.constant 2147483647 : i32
    %xor3A_4 = vector.broadcast %xor3A : i32 to vector<8x896xi32>
    %xor3A_5 = arith.xori %bitcast_convert_type3A, %xor3A_4 : vector<8x896xi32>
    %select_n3A = arith.select %ge3A_3, %bitcast_convert_type3A, %xor3A_5 : vector<8x896xi1>, vector<8x896xi32>
    %swap3A = arith.constant 0 : index
    %swap3A_6 = arith.constant 0 : index
    %swap3A_7 = vector.load %arg3[%swap3A, %swap3A_6] : memref<8x6272xi32, #tpu.memory_space<vmem>>, vector<8x896xi32>
    tpu.vector_store %arg3[%swap3A, %swap3A_6], %select_n3A {strides = array<i32>} : memref<8x6272xi32, #tpu.memory_space<vmem>>, vector<8x896xi32>,
    %get3A_8 = arith.constant 0 : index
    %get3A_9 = arith.constant 896 : index
    %get3A_10 = vector.load %arg1[%get3A_8, %get3A_9] : memref<8x6272xf32, #tpu.memory_space<vmem>>, vector<8x896xf32>
    %bitcast_convert_type3A_11 = tpu.bitcast %get3A_10 : vector<8x896xf32> -> vector<8x896xi32>
    %ge3A_12 = arith.constant 0 : i32
    %ge3A_13 = vector.broadcast %ge3A_12 : i32 to vector<8x896xi32>
    %ge3A_14 = arith.cmpi sge, %bitcast_convert_type3A_11, %ge3A_13 : vector<8x896xi32>
    %xor3A_15 = arith.constant 2147483647 : i32
    %xor3A_16 = vector.broadcast %xor3A_15 : i32 to vector<8x896xi32>
    %xor3A_17 = arith.xori %bitcast_convert_type3A_11, %xor3A_16 : vector<8x896xi32>
    %select_n3A_18 = arith.select %ge3A_14, %bitcast_convert_type3A_11, %xor3A_17 : vector<8x896xi1>, vector<8x896xi32>
    %swap3A_19 = arith.constant 0 : index
    %swap3A_20 = arith.constant 896 : index
    %swap3A_21 = vector.load %arg3[%swap3A_19, %swap3A_20] : memref<8x6272xi32, #tpu.memory_space<vmem>>, vector<8x896xi32>
    tpu.vector_store %arg3[%swap3A_19, %swap3A_20], %select_n3A_18 {strides = array<i32>} : memref<8x6272xi32, #tpu.memory_space<vmem>>, vector<8x896xi32>,
    %get3A_22 = arith.constant 0 : index
    %get3A_23 = arith.constant 1792 : index
    %get3A_24 = vector.load %arg1[%get3A_22, %get3A_23] : memref<8x6272xf32, #tpu.memory_space<vmem>>, vector<8x896xf32>
    %bitcast_convert_type3A_25 = tpu.bitcast %get3A_24 : vector<8x896xf32> -> vector<8x896xi32>
    %ge3A_26 = arith.constant 0 : i32
    %ge3A_27 = vector.broadcast %ge3A_26 : i32 to vector<8x896xi32>
    %ge3A_28 = arith.cmpi sge, %bitcast_convert_type3A_25, %ge3A_27 : vector<8x896xi32>
    %xor3A_29 = arith.constant 2147483647 : i32
    %xor3A_30 = vector.broadcast %xor3A_29 : i32 to vector<8x896xi32>
    %xor3A_31 = arith.xori %bitcast_convert_type3A_25, %xor3A_30 : vector<8x896xi32>
    %select_n3A_32 = arith.select %ge3A_28, %bitcast_convert_type3A_25, %xor3A_31 : vector<8x896xi1>, vector<8x896xi32>
    %swap3A_33 = arith.constant 0 : index
    %swap3A_34 = arith.constant 1792 : index
    %swap3A_35 = vector.load %arg3[%swap3A_33, %swap3A_34] : memref<8x6272xi32, #tpu.memory_space<vmem>>, vector<8x896xi32>
    tpu.vector_store %arg3[%swap3A_33, %swap3A_34], %select_n3A_32 {strides = array<i32>} : memref<8x6272xi32, #tpu.memory_space<vmem>>, vector<8x896xi32>,
    %get3A_36 = arith.constant 0 : index
    %get3A_37 = arith.constant 2688 : index
    %get3A_38 = vector.load %arg1[%get3A_36, %get3A_37] : memref<8x6272xf32, #tpu.memory_space<vmem>>, vector<8x896xf32>
    %bitcast_convert_type3A_39 = tpu.bitcast %get3A_38 : vector<8x896xf32> -> vector<8x896xi32>
    %ge3A_40 = arith.constant 0 : i32
    %ge3A_41 = vector.broadcast %ge3A_40 : i32 to vector<8x896xi32>
    %ge3A_42 = arith.cmpi sge, %bitcast_convert_type3A_39, %ge3A_41 : vector<8x896xi32>
    %xor3A_43 = arith.constant 2147483647 : i32
    %xor3A_44 = vector.broadcast %xor3A_43 : i32 to vector<8x896xi32>
    %xor3A_45 = arith.xori %bitcast_convert_type3A_39, %xor3A_44 : vector<8x896xi32>
    %select_n3A_46 = arith.select %ge3A_42, %bitcast_convert_type3A_39, %xor3A_45 : vector<8x896xi1>, vector<8x896xi32>
    %swap3A_47 = arith.constant 0 : index
    %swap3A_48 = arith.constant 2688 : index
    %swap3A_49 = vector.load %arg3[%swap3A_47, %swap3A_48] : memref<8x6272xi32, #tpu.memory_space<vmem>>, vector<8x896xi32>
    tpu.vector_store %arg3[%swap3A_47, %swap3A_48], %select_n3A_46 {strides = array<i32>} : memref<8x6272xi32, #tpu.memory_space<vmem>>, vector<8x896xi32>,
    %get3A_50 = arith.constant 0 : index
    %get3A_51 = arith.constant 3584 : index
    %get3A_52 = vector.load %arg1[%get3A_50, %get3A_51] : memref<8x6272xf32, #tpu.memory_space<vmem>>, vector<8x896xf32>
    %bitcast_convert_type3A_53 = tpu.bitcast %get3A_52 : vector<8x896xf32> -> vector<8x896xi32>
    %ge3A_54 = arith.constant 0 : i32
    %ge3A_55 = vector.broadcast %ge3A_54 : i32 to vector<8x896xi32>
    %ge3A_56 = arith.cmpi sge, %bitcast_convert_type3A_53, %ge3A_55 : vector<8x896xi32>
    %xor3A_57 = arith.constant 2147483647 : i32
    %xor3A_58 = vector.broadcast %xor3A_57 : i32 to vector<8x896xi32>
    %xor3A_59 = arith.xori %bitcast_convert_type3A_53, %xor3A_58 : vector<8x896xi32>
    %select_n3A_60 = arith.select %ge3A_56, %bitcast_convert_type3A_53, %xor3A_59 : vector<8x896xi1>, vector<8x896xi32>
    %swap3A_61 = arith.constant 0 : index
    %swap3A_62 = arith.constant 3584 : index
    %swap3A_63 = vector.load %arg3[%swap3A_61, %swap3A_62] : memref<8x6272xi32, #tpu.memory_space<vmem>>, vector<8x896xi32>
    tpu.vector_store %arg3[%swap3A_61, %swap3A_62], %select_n3A_60 {strides = array<i32>} : memref<8x6272xi32, #tpu.memory_space<vmem>>, vector<8x896xi32>,
    %get3A_64 = arith.constant 0 : index
    %get3A_65 = arith.constant 4480 : index
    %get3A_66 = vector.load %arg1[%get3A_64, %get3A_65] : memref<8x6272xf32, #tpu.memory_space<vmem>>, vector<8x896xf32>
    %bitcast_convert_type3A_67 = tpu.bitcast %get3A_66 : vector<8x896xf32> -> vector<8x896xi32>
    %ge3A_68 = arith.constant 0 : i32
    %ge3A_69 = vector.broadcast %ge3A_68 : i32 to vector<8x896xi32>
    %ge3A_70 = arith.cmpi sge, %bitcast_convert_type3A_67, %ge3A_69 : vector<8x896xi32>
    %xor3A_71 = arith.constant 2147483647 : i32
    %xor3A_72 = vector.broadcast %xor3A_71 : i32 to vector<8x896xi32>
    %xor3A_73 = arith.xori %bitcast_convert_type3A_67, %xor3A_72 : vector<8x896xi32>
    %select_n3A_74 = arith.select %ge3A_70, %bitcast_convert_type3A_67, %xor3A_73 : vector<8x896xi1>, vector<8x896xi32>
    %swap3A_75 = arith.constant 0 : index
    %swap3A_76 = arith.constant 4480 : index
    %swap3A_77 = vector.load %arg3[%swap3A_75, %swap3A_76] : memref<8x6272xi32, #tpu.memory_space<vmem>>, vector<8x896xi32>
    tpu.vector_store %arg3[%swap3A_75, %swap3A_76], %select_n3A_74 {strides = array<i32>} : memref<8x6272xi32, #tpu.memory_space<vmem>>, vector<8x896xi32>,
    %get3A_78 = arith.constant 0 : index
    %get3A_79 = arith.constant 5376 : index
    %get3A_80 = vector.load %arg1[%get3A_78, %get3A_79] : memref<8x6272xf32, #tpu.memory_space<vmem>>, vector<8x896xf32>
    %bitcast_convert_type3A_81 = tpu.bitcast %get3A_80 : vector<8x896xf32> -> vector<8x896xi32>
    %ge3A_82 = arith.constant 0 : i32
    %ge3A_83 = vector.broadcast %ge3A_82 : i32 to vector<8x896xi32>
    %ge3A_84 = arith.cmpi sge, %bitcast_convert_type3A_81, %ge3A_83 : vector<8x896xi32>
    %xor3A_85 = arith.constant 2147483647 : i32
    %xor3A_86 = vector.broadcast %xor3A_85 : i32 to vector<8x896xi32>
    %xor3A_87 = arith.xori %bitcast_convert_type3A_81, %xor3A_86 : vector<8x896xi32>
    %select_n3A_88 = arith.select %ge3A_84, %bitcast_convert_type3A_81, %xor3A_87 : vector<8x896xi1>, vector<8x896xi32>
    %swap3A_89 = arith.constant 0 : index
    %swap3A_90 = arith.constant 5376 : index
    %swap3A_91 = vector.load %arg3[%swap3A_89, %swap3A_90] : memref<8x6272xi32, #tpu.memory_space<vmem>>, vector<8x896xi32>
    tpu.vector_store %arg3[%swap3A_89, %swap3A_90], %select_n3A_88 {strides = array<i32>} : memref<8x6272xi32, #tpu.memory_space<vmem>>, vector<8x896xi32>,
    %broadcast_in_dim3A = arith.constant 0 : i32
    %broadcast_in_dim3A_92 = vector.broadcast %broadcast_in_dim3A : i32 to vector<8x1xi32>
    %scan3A = arith.constant 0 : i32
    %scan3A_93 = arith.constant 32 : i32
    %scan3A_94 = arith.addi %scan3A, %scan3A_93 : i32
    %scan3A_95 = arith.constant 1 : i32
    %scan3A_96 = scf.for %scan3A_112 = %scan3A to %scan3A_94 step %scan3A_95 iter_args(%scan3A_113 = %broadcast_in_dim3A_92) -> (vector<8x1xi32>)  : i32 {
      %sub3A = arith.constant 31 : i32
      %sub3A_114 = arith.subi %sub3A, %scan3A_112 : i32
      %shift_left3A = arith.constant 1 : i32
      %shift_left3A_115 = arith.shli %shift_left3A, %sub3A_114 : i32
      %or3A = vector.broadcast %shift_left3A_115 : i32 to vector<8x1xi32>
      %or3A_116 = arith.ori %scan3A_113, %or3A : vector<8x1xi32>
      %xor3A_117 = arith.constant -2147483648 : i32
      %xor3A_118 = vector.broadcast %xor3A_117 : i32 to vector<8x1xi32>
      %xor3A_119 = arith.xori %or3A_116, %xor3A_118 : vector<8x1xi32>
      %broadcast_in_dim3A_120 = arith.constant 0 : i32
      %broadcast_in_dim3A_121 = vector.broadcast %broadcast_in_dim3A_120 : i32 to vector<8x1xi32>
      %get3A_122 = arith.constant 0 : index
      %get3A_123 = arith.constant 0 : index
      %get3A_124 = vector.load %arg3[%get3A_122, %get3A_123] : memref<8x6272xi32, #tpu.memory_space<vmem>>, vector<8x896xi32>
      %ge3A_125 = vector.broadcast %xor3A_119 : vector<8x1xi32> to vector<8x896xi32>
      %ge3A_126 = arith.cmpi sge, %get3A_124, %ge3A_125 : vector<8x896xi32>
      %convert_element_type3A = arith.extui %ge3A_126 : vector<8x896xi1> to vector<8x896xi32>
      %reduce_sum3A = arith.constant dense<0> : vector<8xi32>
      %reduce_sum3A_127 = vector.multi_reduction <add>, %convert_element_type3A, %reduce_sum3A [1] : vector<8x896xi32> to vector<8xi32>
      %broadcast_in_dim3A_128 = vector.shape_cast %reduce_sum3A_127 : vector<8xi32> to vector<8x1xi32>
      %add3A = arith.addi %broadcast_in_dim3A_121, %broadcast_in_dim3A_128 : vector<8x1xi32>
      %get3A_129 = arith.constant 0 : index
      %get3A_130 = arith.constant 896 : index
      %get3A_131 = vector.load %arg3[%get3A_129, %get3A_130] : memref<8x6272xi32, #tpu.memory_space<vmem>>, vector<8x896xi32>
      %ge3A_132 = vector.broadcast %xor3A_119 : vector<8x1xi32> to vector<8x896xi32>
      %ge3A_133 = arith.cmpi sge, %get3A_131, %ge3A_132 : vector<8x896xi32>
      %convert_element_type3A_134 = arith.extui %ge3A_133 : vector<8x896xi1> to vector<8x896xi32>
      %reduce_sum3A_135 = arith.constant dense<0> : vector<8xi32>
      %reduce_sum3A_136 = vector.multi_reduction <add>, %convert_element_type3A_134, %reduce_sum3A_135 [1] : vector<8x896xi32> to vector<8xi32>
      %broadcast_in_dim3A_137 = vector.shape_cast %reduce_sum3A_136 : vector<8xi32> to vector<8x1xi32>
      %add3A_138 = arith.addi %add3A, %broadcast_in_dim3A_137 : vector<8x1xi32>
      %get3A_139 = arith.constant 0 : index
      %get3A_140 = arith.constant 1792 : index
      %get3A_141 = vector.load %arg3[%get3A_139, %get3A_140] : memref<8x6272xi32, #tpu.memory_space<vmem>>, vector<8x896xi32>
      %ge3A_142 = vector.broadcast %xor3A_119 : vector<8x1xi32> to vector<8x896xi32>
      %ge3A_143 = arith.cmpi sge, %get3A_141, %ge3A_142 : vector<8x896xi32>
      %convert_element_type3A_144 = arith.extui %ge3A_143 : vector<8x896xi1> to vector<8x896xi32>
      %reduce_sum3A_145 = arith.constant dense<0> : vector<8xi32>
      %reduce_sum3A_146 = vector.multi_reduction <add>, %convert_element_type3A_144, %reduce_sum3A_145 [1] : vector<8x896xi32> to vector<8xi32>
      %broadcast_in_dim3A_147 = vector.shape_cast %reduce_sum3A_146 : vector<8xi32> to vector<8x1xi32>
      %add3A_148 = arith.addi %add3A_138, %broadcast_in_dim3A_147 : vector<8x1xi32>
      %get3A_149 = arith.constant 0 : index
      %get3A_150 = arith.constant 2688 : index
      %get3A_151 = vector.load %arg3[%get3A_149, %get3A_150] : memref<8x6272xi32, #tpu.memory_space<vmem>>, vector<8x896xi32>
      %ge3A_152 = vector.broadcast %xor3A_119 : vector<8x1xi32> to vector<8x896xi32>
      %ge3A_153 = arith.cmpi sge, %get3A_151, %ge3A_152 : vector<8x896xi32>
      %convert_element_type3A_154 = arith.extui %ge3A_153 : vector<8x896xi1> to vector<8x896xi32>
      %reduce_sum3A_155 = arith.constant dense<0> : vector<8xi32>
      %reduce_sum3A_156 = vector.multi_reduction <add>, %convert_element_type3A_154, %reduce_sum3A_155 [1] : vector<8x896xi32> to vector<8xi32>
      %broadcast_in_dim3A_157 = vector.shape_cast %reduce_sum3A_156 : vector<8xi32> to vector<8x1xi32>
      %add3A_158 = arith.addi %add3A_148, %broadcast_in_dim3A_157 : vector<8x1xi32>
      %get3A_159 = arith.constant 0 : index
      %get3A_160 = arith.constant 3584 : index
      %get3A_161 = vector.load %arg3[%get3A_159, %get3A_160] : memref<8x6272xi32, #tpu.memory_space<vmem>>, vector<8x896xi32>
      %ge3A_162 = vector.broadcast %xor3A_119 : vector<8x1xi32> to vector<8x896xi32>
      %ge3A_163 = arith.cmpi sge, %get3A_161, %ge3A_162 : vector<8x896xi32>
      %convert_element_type3A_164 = arith.extui %ge3A_163 : vector<8x896xi1> to vector<8x896xi32>
      %reduce_sum3A_165 = arith.constant dense<0> : vector<8xi32>
      %reduce_sum3A_166 = vector.multi_reduction <add>, %convert_element_type3A_164, %reduce_sum3A_165 [1] : vector<8x896xi32> to vector<8xi32>
      %broadcast_in_dim3A_167 = vector.shape_cast %reduce_sum3A_166 : vector<8xi32> to vector<8x1xi32>
      %add3A_168 = arith.addi %add3A_158, %broadcast_in_dim3A_167 : vector<8x1xi32>
      %get3A_169 = arith.constant 0 : index
      %get3A_170 = arith.constant 4480 : index
      %get3A_171 = vector.load %arg3[%get3A_169, %get3A_170] : memref<8x6272xi32, #tpu.memory_space<vmem>>, vector<8x896xi32>
      %ge3A_172 = vector.broadcast %xor3A_119 : vector<8x1xi32> to vector<8x896xi32>
      %ge3A_173 = arith.cmpi sge, %get3A_171, %ge3A_172 : vector<8x896xi32>
      %convert_element_type3A_174 = arith.extui %ge3A_173 : vector<8x896xi1> to vector<8x896xi32>
      %reduce_sum3A_175 = arith.constant dense<0> : vector<8xi32>
      %reduce_sum3A_176 = vector.multi_reduction <add>, %convert_element_type3A_174, %reduce_sum3A_175 [1] : vector<8x896xi32> to vector<8xi32>
      %broadcast_in_dim3A_177 = vector.shape_cast %reduce_sum3A_176 : vector<8xi32> to vector<8x1xi32>
      %add3A_178 = arith.addi %add3A_168, %broadcast_in_dim3A_177 : vector<8x1xi32>
      %get3A_179 = arith.constant 0 : index
      %get3A_180 = arith.constant 5376 : index
      %get3A_181 = vector.load %arg3[%get3A_179, %get3A_180] : memref<8x6272xi32, #tpu.memory_space<vmem>>, vector<8x896xi32>
      %ge3A_182 = vector.broadcast %xor3A_119 : vector<8x1xi32> to vector<8x896xi32>
      %ge3A_183 = arith.cmpi sge, %get3A_181, %ge3A_182 : vector<8x896xi32>
      %convert_element_type3A_184 = arith.extui %ge3A_183 : vector<8x896xi1> to vector<8x896xi32>
      %reduce_sum3A_185 = arith.constant dense<0> : vector<8xi32>
      %reduce_sum3A_186 = vector.multi_reduction <add>, %convert_element_type3A_184, %reduce_sum3A_185 [1] : vector<8x896xi32> to vector<8xi32>
      %broadcast_in_dim3A_187 = vector.shape_cast %reduce_sum3A_186 : vector<8xi32> to vector<8x1xi32>
      %add3A_188 = arith.addi %add3A_178, %broadcast_in_dim3A_187 : vector<8x1xi32>
      %ge3A_189 = arith.constant 128 : i32
      %ge3A_190 = vector.broadcast %ge3A_189 : i32 to vector<8x1xi32>
      %ge3A_191 = arith.cmpi sge, %add3A_188, %ge3A_190 : vector<8x1xi32>
      %select_n3A_192 = arith.select %ge3A_191, %or3A_116, %scan3A_113 : vector<8x1xi1>, vector<8x1xi32>
      scf.yield %select_n3A_192 : vector<8x1xi32>
    }
    %scan3A_97 = arith.constant 32 : i32
    %xor3A_98 = arith.constant -2147483648 : i32
    %xor3A_99 = vector.broadcast %xor3A_98 : i32 to vector<8x1xi32>
    %xor3A_100 = arith.xori %scan3A_96, %xor3A_99 : vector<8x1xi32>
    %ge3A_101 = arith.constant 0 : i32
    %ge3A_102 = vector.broadcast %ge3A_101 : i32 to vector<8x1xi32>
    %ge3A_103 = arith.cmpi sge, %xor3A_100, %ge3A_102 : vector<8x1xi32>
    %xor3A_104 = arith.constant 2147483647 : i32
    %xor3A_105 = vector.broadcast %xor3A_104 : i32 to vector<8x1xi32>
    %xor3A_106 = arith.xori %xor3A_100, %xor3A_105 : vector<8x1xi32>
    %select_n3A_107 = arith.select %ge3A_103, %xor3A_100, %xor3A_106 : vector<8x1xi1>, vector<8x1xi32>
    %bitcast_convert_type3A_108 = tpu.bitcast %select_n3A_107 : vector<8x1xi32> -> vector<8x1xf32>
    %swap3A_109 = arith.constant 0 : index
    %swap3A_110 = arith.constant 0 : index
    %swap3A_111 = vector.load %arg2[%swap3A_109, %swap3A_110] : memref<8x1xf32, #tpu.memory_space<vmem>>, vector<8x1xf32>
    tpu.vector_store %arg2[%swap3A_109, %swap3A_110], %bitcast_convert_type3A_108 {strides = array<i32>} : memref<8x1xf32, #tpu.memory_space<vmem>>, vector<8x1xf32>,
    return
  }
  func.func @transform_0(%arg0: i32) -> (i32, i32) {
    %c0_i32 = arith.constant 0 : i32
    %c0_i32_0 = arith.constant 0 : i32
    return %arg0, %c0_i32 : i32, i32
  }
  func.func @transform_1(%arg0: i32) -> (i32, i32) {
    %c0_i32 = arith.constant 0 : i32
    %c0_i32_0 = arith.constant 0 : i32
    return %arg0, %c0_i32 : i32, i32
  }
}

module attributes {stable_mosaic.version = 14 : i64} {
  func.func @_final_kernel(%arg0: i32, %arg1: memref<8x3072xf32, #tpu.memory_space<vmem>>, %arg2: memref<8x3072xf32, #tpu.memory_space<vmem>>, %arg3: memref<8x3072xf32, #tpu.memory_space<vmem>>, %arg4: memref<8x1xf32, #tpu.memory_space<vmem>>, %arg5: memref<8x3072xi32, #tpu.memory_space<vmem>>) attributes {dimension_semantics = [#tpu.dimension_semantics<parallel>], iteration_bounds = array<i64: 128>, scalar_prefetch = 0 : i64, scratch_operands = 1 : i64, tpu.core_type = #tpu.core_type<tc>, window_params = [{transform_indices = @transform_0, window_bounds = array<i64: 8, 3072>}, {transform_indices = @transform_1, window_bounds = array<i64: 8, 3072>}, {transform_indices = @transform_2, window_bounds = array<i64: 8, 3072>}, {transform_indices = @transform_3, window_bounds = array<i64: 8, 1>}]} {
    %get3A = arith.constant 0 : index
    %get3A_0 = arith.constant 0 : index
    %get3A_1 = vector.load %arg1[%get3A, %get3A_0] : memref<8x3072xf32, #tpu.memory_space<vmem>>, vector<8x1024xf32>
    %bitcast_convert_type3A = tpu.bitcast %get3A_1 : vector<8x1024xf32> -> vector<8x1024xi32>
    %ge3A = arith.constant 0 : i32
    %ge3A_2 = vector.broadcast %ge3A : i32 to vector<8x1024xi32>
    %ge3A_3 = arith.cmpi sge, %bitcast_convert_type3A, %ge3A_2 : vector<8x1024xi32>
    %xor3A = arith.constant 2147483647 : i32
    %xor3A_4 = vector.broadcast %xor3A : i32 to vector<8x1024xi32>
    %xor3A_5 = arith.xori %bitcast_convert_type3A, %xor3A_4 : vector<8x1024xi32>
    %select_n3A = arith.select %ge3A_3, %bitcast_convert_type3A, %xor3A_5 : vector<8x1024xi1>, vector<8x1024xi32>
    %swap3A = arith.constant 0 : index
    %swap3A_6 = arith.constant 0 : index
    %swap3A_7 = vector.load %arg5[%swap3A, %swap3A_6] : memref<8x3072xi32, #tpu.memory_space<vmem>>, vector<8x1024xi32>
    tpu.vector_store %arg5[%swap3A, %swap3A_6], %select_n3A {strides = array<i32>} : memref<8x3072xi32, #tpu.memory_space<vmem>>, vector<8x1024xi32>,
    %get3A_8 = arith.constant 0 : index
    %get3A_9 = arith.constant 1024 : index
    %get3A_10 = vector.load %arg1[%get3A_8, %get3A_9] : memref<8x3072xf32, #tpu.memory_space<vmem>>, vector<8x1024xf32>
    %bitcast_convert_type3A_11 = tpu.bitcast %get3A_10 : vector<8x1024xf32> -> vector<8x1024xi32>
    %ge3A_12 = arith.constant 0 : i32
    %ge3A_13 = vector.broadcast %ge3A_12 : i32 to vector<8x1024xi32>
    %ge3A_14 = arith.cmpi sge, %bitcast_convert_type3A_11, %ge3A_13 : vector<8x1024xi32>
    %xor3A_15 = arith.constant 2147483647 : i32
    %xor3A_16 = vector.broadcast %xor3A_15 : i32 to vector<8x1024xi32>
    %xor3A_17 = arith.xori %bitcast_convert_type3A_11, %xor3A_16 : vector<8x1024xi32>
    %select_n3A_18 = arith.select %ge3A_14, %bitcast_convert_type3A_11, %xor3A_17 : vector<8x1024xi1>, vector<8x1024xi32>
    %swap3A_19 = arith.constant 0 : index
    %swap3A_20 = arith.constant 1024 : index
    %swap3A_21 = vector.load %arg5[%swap3A_19, %swap3A_20] : memref<8x3072xi32, #tpu.memory_space<vmem>>, vector<8x1024xi32>
    tpu.vector_store %arg5[%swap3A_19, %swap3A_20], %select_n3A_18 {strides = array<i32>} : memref<8x3072xi32, #tpu.memory_space<vmem>>, vector<8x1024xi32>,
    %get3A_22 = arith.constant 0 : index
    %get3A_23 = arith.constant 2048 : index
    %get3A_24 = vector.load %arg1[%get3A_22, %get3A_23] : memref<8x3072xf32, #tpu.memory_space<vmem>>, vector<8x1024xf32>
    %bitcast_convert_type3A_25 = tpu.bitcast %get3A_24 : vector<8x1024xf32> -> vector<8x1024xi32>
    %ge3A_26 = arith.constant 0 : i32
    %ge3A_27 = vector.broadcast %ge3A_26 : i32 to vector<8x1024xi32>
    %ge3A_28 = arith.cmpi sge, %bitcast_convert_type3A_25, %ge3A_27 : vector<8x1024xi32>
    %xor3A_29 = arith.constant 2147483647 : i32
    %xor3A_30 = vector.broadcast %xor3A_29 : i32 to vector<8x1024xi32>
    %xor3A_31 = arith.xori %bitcast_convert_type3A_25, %xor3A_30 : vector<8x1024xi32>
    %select_n3A_32 = arith.select %ge3A_28, %bitcast_convert_type3A_25, %xor3A_31 : vector<8x1024xi1>, vector<8x1024xi32>
    %swap3A_33 = arith.constant 0 : index
    %swap3A_34 = arith.constant 2048 : index
    %swap3A_35 = vector.load %arg5[%swap3A_33, %swap3A_34] : memref<8x3072xi32, #tpu.memory_space<vmem>>, vector<8x1024xi32>
    tpu.vector_store %arg5[%swap3A_33, %swap3A_34], %select_n3A_32 {strides = array<i32>} : memref<8x3072xi32, #tpu.memory_space<vmem>>, vector<8x1024xi32>,
    %broadcast_in_dim3A = arith.constant 0 : i32
    %broadcast_in_dim3A_36 = vector.broadcast %broadcast_in_dim3A : i32 to vector<8x1xi32>
    %scan3A = arith.constant 0 : i32
    %scan3A_37 = arith.constant 32 : i32
    %scan3A_38 = arith.addi %scan3A, %scan3A_37 : i32
    %scan3A_39 = arith.constant 1 : i32
    %scan3A_40 = scf.for %scan3A_228 = %scan3A to %scan3A_38 step %scan3A_39 iter_args(%scan3A_229 = %broadcast_in_dim3A_36) -> (vector<8x1xi32>)  : i32 {
      %sub3A_230 = arith.constant 31 : i32
      %sub3A_231 = arith.subi %sub3A_230, %scan3A_228 : i32
      %shift_left3A = arith.constant 1 : i32
      %shift_left3A_232 = arith.shli %shift_left3A, %sub3A_231 : i32
      %or3A = vector.broadcast %shift_left3A_232 : i32 to vector<8x1xi32>
      %or3A_233 = arith.ori %scan3A_229, %or3A : vector<8x1xi32>
      %xor3A_234 = arith.constant -2147483648 : i32
      %xor3A_235 = vector.broadcast %xor3A_234 : i32 to vector<8x1xi32>
      %xor3A_236 = arith.xori %or3A_233, %xor3A_235 : vector<8x1xi32>
      %broadcast_in_dim3A_237 = arith.constant 0 : i32
      %broadcast_in_dim3A_238 = vector.broadcast %broadcast_in_dim3A_237 : i32 to vector<8x1xi32>
      %get3A_239 = arith.constant 0 : index
      %get3A_240 = arith.constant 0 : index
      %get3A_241 = vector.load %arg5[%get3A_239, %get3A_240] : memref<8x3072xi32, #tpu.memory_space<vmem>>, vector<8x1024xi32>
      %ge3A_242 = vector.broadcast %xor3A_236 : vector<8x1xi32> to vector<8x1024xi32>
      %ge3A_243 = arith.cmpi sge, %get3A_241, %ge3A_242 : vector<8x1024xi32>
      %convert_element_type3A_244 = arith.extui %ge3A_243 : vector<8x1024xi1> to vector<8x1024xi32>
      %reduce_sum3A_245 = arith.constant dense<0> : vector<8xi32>
      %reduce_sum3A_246 = vector.multi_reduction <add>, %convert_element_type3A_244, %reduce_sum3A_245 [1] : vector<8x1024xi32> to vector<8xi32>
      %broadcast_in_dim3A_247 = vector.shape_cast %reduce_sum3A_246 : vector<8xi32> to vector<8x1xi32>
      %add3A_248 = arith.addi %broadcast_in_dim3A_238, %broadcast_in_dim3A_247 : vector<8x1xi32>
      %get3A_249 = arith.constant 0 : index
      %get3A_250 = arith.constant 1024 : index
      %get3A_251 = vector.load %arg5[%get3A_249, %get3A_250] : memref<8x3072xi32, #tpu.memory_space<vmem>>, vector<8x1024xi32>
      %ge3A_252 = vector.broadcast %xor3A_236 : vector<8x1xi32> to vector<8x1024xi32>
      %ge3A_253 = arith.cmpi sge, %get3A_251, %ge3A_252 : vector<8x1024xi32>
      %convert_element_type3A_254 = arith.extui %ge3A_253 : vector<8x1024xi1> to vector<8x1024xi32>
      %reduce_sum3A_255 = arith.constant dense<0> : vector<8xi32>
      %reduce_sum3A_256 = vector.multi_reduction <add>, %convert_element_type3A_254, %reduce_sum3A_255 [1] : vector<8x1024xi32> to vector<8xi32>
      %broadcast_in_dim3A_257 = vector.shape_cast %reduce_sum3A_256 : vector<8xi32> to vector<8x1xi32>
      %add3A_258 = arith.addi %add3A_248, %broadcast_in_dim3A_257 : vector<8x1xi32>
      %get3A_259 = arith.constant 0 : index
      %get3A_260 = arith.constant 2048 : index
      %get3A_261 = vector.load %arg5[%get3A_259, %get3A_260] : memref<8x3072xi32, #tpu.memory_space<vmem>>, vector<8x1024xi32>
      %ge3A_262 = vector.broadcast %xor3A_236 : vector<8x1xi32> to vector<8x1024xi32>
      %ge3A_263 = arith.cmpi sge, %get3A_261, %ge3A_262 : vector<8x1024xi32>
      %convert_element_type3A_264 = arith.extui %ge3A_263 : vector<8x1024xi1> to vector<8x1024xi32>
      %reduce_sum3A_265 = arith.constant dense<0> : vector<8xi32>
      %reduce_sum3A_266 = vector.multi_reduction <add>, %convert_element_type3A_264, %reduce_sum3A_265 [1] : vector<8x1024xi32> to vector<8xi32>
      %broadcast_in_dim3A_267 = vector.shape_cast %reduce_sum3A_266 : vector<8xi32> to vector<8x1xi32>
      %add3A_268 = arith.addi %add3A_258, %broadcast_in_dim3A_267 : vector<8x1xi32>
      %ge3A_269 = arith.constant 128 : i32
      %ge3A_270 = vector.broadcast %ge3A_269 : i32 to vector<8x1xi32>
      %ge3A_271 = arith.cmpi sge, %add3A_268, %ge3A_270 : vector<8x1xi32>
      %select_n3A_272 = arith.select %ge3A_271, %or3A_233, %scan3A_229 : vector<8x1xi1>, vector<8x1xi32>
      scf.yield %select_n3A_272 : vector<8x1xi32>
    }
    %scan3A_41 = arith.constant 32 : i32
    %xor3A_42 = arith.constant -2147483648 : i32
    %xor3A_43 = vector.broadcast %xor3A_42 : i32 to vector<8x1xi32>
    %xor3A_44 = arith.xori %scan3A_40, %xor3A_43 : vector<8x1xi32>
    %broadcast_in_dim3A_45 = arith.constant 0.000000e+00 : f32
    %broadcast_in_dim3A_46 = vector.broadcast %broadcast_in_dim3A_45 : f32 to vector<8x1xf32>
    %broadcast_in_dim3A_47 = arith.constant 0.000000e+00 : f32
    %broadcast_in_dim3A_48 = vector.broadcast %broadcast_in_dim3A_47 : f32 to vector<8x1xf32>
    %broadcast_in_dim3A_49 = arith.constant 0.000000e+00 : f32
    %broadcast_in_dim3A_50 = vector.broadcast %broadcast_in_dim3A_49 : f32 to vector<8x1xf32>
    %broadcast_in_dim3A_51 = arith.constant 0.000000e+00 : f32
    %broadcast_in_dim3A_52 = vector.broadcast %broadcast_in_dim3A_51 : f32 to vector<8x1xf32>
    %broadcast_in_dim3A_53 = arith.constant 0.000000e+00 : f32
    %broadcast_in_dim3A_54 = vector.broadcast %broadcast_in_dim3A_53 : f32 to vector<8x1xf32>
    %broadcast_in_dim3A_55 = arith.constant 0.000000e+00 : f32
    %broadcast_in_dim3A_56 = vector.broadcast %broadcast_in_dim3A_55 : f32 to vector<8x1xf32>
    %get3A_57 = arith.constant 0 : index
    %get3A_58 = arith.constant 0 : index
    %get3A_59 = vector.load %arg5[%get3A_57, %get3A_58] : memref<8x3072xi32, #tpu.memory_space<vmem>>, vector<8x1024xi32>
    %get3A_60 = arith.constant 0 : index
    %get3A_61 = arith.constant 0 : index
    %get3A_62 = vector.load %arg1[%get3A_60, %get3A_61] : memref<8x3072xf32, #tpu.memory_space<vmem>>, vector<8x1024xf32>
    %sub3A = arith.constant 1.000000e+00 : f32
    %sub3A_63 = vector.broadcast %sub3A : f32 to vector<8x1024xf32>
    %sub3A_64 = arith.subf %get3A_62, %sub3A_63 : vector<8x1024xf32>
    %exp3A = math.exp %sub3A_64 : vector<8x1024xf32>
    %get3A_65 = arith.constant 0 : index
    %get3A_66 = arith.constant 0 : index
    %get3A_67 = vector.load %arg2[%get3A_65, %get3A_66] : memref<8x3072xf32, #tpu.memory_space<vmem>>, vector<8x1024xf32>
    %mul3A = arith.mulf %exp3A, %get3A_67 : vector<8x1024xf32>
    %get3A_68 = arith.constant 0 : index
    %get3A_69 = arith.constant 0 : index
    %get3A_70 = vector.load %arg3[%get3A_68, %get3A_69] : memref<8x3072xf32, #tpu.memory_space<vmem>>, vector<8x1024xf32>
    %mul3A_71 = arith.mulf %exp3A, %get3A_70 : vector<8x1024xf32>
    %gt3A = vector.broadcast %xor3A_44 : vector<8x1xi32> to vector<8x1024xi32>
    %gt3A_72 = arith.cmpi sgt, %get3A_59, %gt3A : vector<8x1024xi32>
    %convert_element_type3A = arith.extui %gt3A_72 : vector<8x1024xi1> to vector<8x1024xi32>
    %convert_element_type3A_73 = arith.sitofp %convert_element_type3A : vector<8x1024xi32> to vector<8x1024xf32>
    %eq3A = vector.broadcast %xor3A_44 : vector<8x1xi32> to vector<8x1024xi32>
    %eq3A_74 = arith.cmpi eq, %get3A_59, %eq3A : vector<8x1024xi32>
    %convert_element_type3A_75 = arith.extui %eq3A_74 : vector<8x1024xi1> to vector<8x1024xi32>
    %convert_element_type3A_76 = arith.sitofp %convert_element_type3A_75 : vector<8x1024xi32> to vector<8x1024xf32>
    %mul3A_77 = arith.mulf %mul3A, %convert_element_type3A_73 : vector<8x1024xf32>
    %reduce_sum3A = arith.constant dense<0.000000e+00> : vector<8xf32>
    %reduce_sum3A_78 = vector.multi_reduction <add>, %mul3A_77, %reduce_sum3A [1] : vector<8x1024xf32> to vector<8xf32>
    %broadcast_in_dim3A_79 = vector.shape_cast %reduce_sum3A_78 : vector<8xf32> to vector<8x1xf32>
    %add3A = arith.addf %broadcast_in_dim3A_46, %broadcast_in_dim3A_79 : vector<8x1xf32>
    %mul3A_80 = arith.mulf %mul3A_71, %convert_element_type3A_73 : vector<8x1024xf32>
    %reduce_sum3A_81 = arith.constant dense<0.000000e+00> : vector<8xf32>
    %reduce_sum3A_82 = vector.multi_reduction <add>, %mul3A_80, %reduce_sum3A_81 [1] : vector<8x1024xf32> to vector<8xf32>
    %broadcast_in_dim3A_83 = vector.shape_cast %reduce_sum3A_82 : vector<8xf32> to vector<8x1xf32>
    %add3A_84 = arith.addf %broadcast_in_dim3A_48, %broadcast_in_dim3A_83 : vector<8x1xf32>
    %mul3A_85 = arith.mulf %mul3A, %convert_element_type3A_76 : vector<8x1024xf32>
    %reduce_sum3A_86 = arith.constant dense<0.000000e+00> : vector<8xf32>
    %reduce_sum3A_87 = vector.multi_reduction <add>, %mul3A_85, %reduce_sum3A_86 [1] : vector<8x1024xf32> to vector<8xf32>
    %broadcast_in_dim3A_88 = vector.shape_cast %reduce_sum3A_87 : vector<8xf32> to vector<8x1xf32>
    %add3A_89 = arith.addf %broadcast_in_dim3A_50, %broadcast_in_dim3A_88 : vector<8x1xf32>
    %mul3A_90 = arith.mulf %mul3A_71, %convert_element_type3A_76 : vector<8x1024xf32>
    %reduce_sum3A_91 = arith.constant dense<0.000000e+00> : vector<8xf32>
    %reduce_sum3A_92 = vector.multi_reduction <add>, %mul3A_90, %reduce_sum3A_91 [1] : vector<8x1024xf32> to vector<8xf32>
    %broadcast_in_dim3A_93 = vector.shape_cast %reduce_sum3A_92 : vector<8xf32> to vector<8x1xf32>
    %add3A_94 = arith.addf %broadcast_in_dim3A_52, %broadcast_in_dim3A_93 : vector<8x1xf32>
    %reduce_sum3A_95 = arith.constant dense<0.000000e+00> : vector<8xf32>
    %reduce_sum3A_96 = vector.multi_reduction <add>, %convert_element_type3A_73, %reduce_sum3A_95 [1] : vector<8x1024xf32> to vector<8xf32>
    %broadcast_in_dim3A_97 = vector.shape_cast %reduce_sum3A_96 : vector<8xf32> to vector<8x1xf32>
    %add3A_98 = arith.addf %broadcast_in_dim3A_54, %broadcast_in_dim3A_97 : vector<8x1xf32>
    %reduce_sum3A_99 = arith.constant dense<0.000000e+00> : vector<8xf32>
    %reduce_sum3A_100 = vector.multi_reduction <add>, %convert_element_type3A_76, %reduce_sum3A_99 [1] : vector<8x1024xf32> to vector<8xf32>
    %broadcast_in_dim3A_101 = vector.shape_cast %reduce_sum3A_100 : vector<8xf32> to vector<8x1xf32>
    %add3A_102 = arith.addf %broadcast_in_dim3A_56, %broadcast_in_dim3A_101 : vector<8x1xf32>
    %get3A_103 = arith.constant 0 : index
    %get3A_104 = arith.constant 1024 : index
    %get3A_105 = vector.load %arg5[%get3A_103, %get3A_104] : memref<8x3072xi32, #tpu.memory_space<vmem>>, vector<8x1024xi32>
    %get3A_106 = arith.constant 0 : index
    %get3A_107 = arith.constant 1024 : index
    %get3A_108 = vector.load %arg1[%get3A_106, %get3A_107] : memref<8x3072xf32, #tpu.memory_space<vmem>>, vector<8x1024xf32>
    %sub3A_109 = arith.constant 1.000000e+00 : f32
    %sub3A_110 = vector.broadcast %sub3A_109 : f32 to vector<8x1024xf32>
    %sub3A_111 = arith.subf %get3A_108, %sub3A_110 : vector<8x1024xf32>
    %exp3A_112 = math.exp %sub3A_111 : vector<8x1024xf32>
    %get3A_113 = arith.constant 0 : index
    %get3A_114 = arith.constant 1024 : index
    %get3A_115 = vector.load %arg2[%get3A_113, %get3A_114] : memref<8x3072xf32, #tpu.memory_space<vmem>>, vector<8x1024xf32>
    %mul3A_116 = arith.mulf %exp3A_112, %get3A_115 : vector<8x1024xf32>
    %get3A_117 = arith.constant 0 : index
    %get3A_118 = arith.constant 1024 : index
    %get3A_119 = vector.load %arg3[%get3A_117, %get3A_118] : memref<8x3072xf32, #tpu.memory_space<vmem>>, vector<8x1024xf32>
    %mul3A_120 = arith.mulf %exp3A_112, %get3A_119 : vector<8x1024xf32>
    %gt3A_121 = vector.broadcast %xor3A_44 : vector<8x1xi32> to vector<8x1024xi32>
    %gt3A_122 = arith.cmpi sgt, %get3A_105, %gt3A_121 : vector<8x1024xi32>
    %convert_element_type3A_123 = arith.extui %gt3A_122 : vector<8x1024xi1> to vector<8x1024xi32>
    %convert_element_type3A_124 = arith.sitofp %convert_element_type3A_123 : vector<8x1024xi32> to vector<8x1024xf32>
    %eq3A_125 = vector.broadcast %xor3A_44 : vector<8x1xi32> to vector<8x1024xi32>
    %eq3A_126 = arith.cmpi eq, %get3A_105, %eq3A_125 : vector<8x1024xi32>
    %convert_element_type3A_127 = arith.extui %eq3A_126 : vector<8x1024xi1> to vector<8x1024xi32>
    %convert_element_type3A_128 = arith.sitofp %convert_element_type3A_127 : vector<8x1024xi32> to vector<8x1024xf32>
    %mul3A_129 = arith.mulf %mul3A_116, %convert_element_type3A_124 : vector<8x1024xf32>
    %reduce_sum3A_130 = arith.constant dense<0.000000e+00> : vector<8xf32>
    %reduce_sum3A_131 = vector.multi_reduction <add>, %mul3A_129, %reduce_sum3A_130 [1] : vector<8x1024xf32> to vector<8xf32>
    %broadcast_in_dim3A_132 = vector.shape_cast %reduce_sum3A_131 : vector<8xf32> to vector<8x1xf32>
    %add3A_133 = arith.addf %add3A, %broadcast_in_dim3A_132 : vector<8x1xf32>
    %mul3A_134 = arith.mulf %mul3A_120, %convert_element_type3A_124 : vector<8x1024xf32>
    %reduce_sum3A_135 = arith.constant dense<0.000000e+00> : vector<8xf32>
    %reduce_sum3A_136 = vector.multi_reduction <add>, %mul3A_134, %reduce_sum3A_135 [1] : vector<8x1024xf32> to vector<8xf32>
    %broadcast_in_dim3A_137 = vector.shape_cast %reduce_sum3A_136 : vector<8xf32> to vector<8x1xf32>
    %add3A_138 = arith.addf %add3A_84, %broadcast_in_dim3A_137 : vector<8x1xf32>
    %mul3A_139 = arith.mulf %mul3A_116, %convert_element_type3A_128 : vector<8x1024xf32>
    %reduce_sum3A_140 = arith.constant dense<0.000000e+00> : vector<8xf32>
    %reduce_sum3A_141 = vector.multi_reduction <add>, %mul3A_139, %reduce_sum3A_140 [1] : vector<8x1024xf32> to vector<8xf32>
    %broadcast_in_dim3A_142 = vector.shape_cast %reduce_sum3A_141 : vector<8xf32> to vector<8x1xf32>
    %add3A_143 = arith.addf %add3A_89, %broadcast_in_dim3A_142 : vector<8x1xf32>
    %mul3A_144 = arith.mulf %mul3A_120, %convert_element_type3A_128 : vector<8x1024xf32>
    %reduce_sum3A_145 = arith.constant dense<0.000000e+00> : vector<8xf32>
    %reduce_sum3A_146 = vector.multi_reduction <add>, %mul3A_144, %reduce_sum3A_145 [1] : vector<8x1024xf32> to vector<8xf32>
    %broadcast_in_dim3A_147 = vector.shape_cast %reduce_sum3A_146 : vector<8xf32> to vector<8x1xf32>
    %add3A_148 = arith.addf %add3A_94, %broadcast_in_dim3A_147 : vector<8x1xf32>
    %reduce_sum3A_149 = arith.constant dense<0.000000e+00> : vector<8xf32>
    %reduce_sum3A_150 = vector.multi_reduction <add>, %convert_element_type3A_124, %reduce_sum3A_149 [1] : vector<8x1024xf32> to vector<8xf32>
    %broadcast_in_dim3A_151 = vector.shape_cast %reduce_sum3A_150 : vector<8xf32> to vector<8x1xf32>
    %add3A_152 = arith.addf %add3A_98, %broadcast_in_dim3A_151 : vector<8x1xf32>
    %reduce_sum3A_153 = arith.constant dense<0.000000e+00> : vector<8xf32>
    %reduce_sum3A_154 = vector.multi_reduction <add>, %convert_element_type3A_128, %reduce_sum3A_153 [1] : vector<8x1024xf32> to vector<8xf32>
    %broadcast_in_dim3A_155 = vector.shape_cast %reduce_sum3A_154 : vector<8xf32> to vector<8x1xf32>
    %add3A_156 = arith.addf %add3A_102, %broadcast_in_dim3A_155 : vector<8x1xf32>
    %get3A_157 = arith.constant 0 : index
    %get3A_158 = arith.constant 2048 : index
    %get3A_159 = vector.load %arg5[%get3A_157, %get3A_158] : memref<8x3072xi32, #tpu.memory_space<vmem>>, vector<8x1024xi32>
    %get3A_160 = arith.constant 0 : index
    %get3A_161 = arith.constant 2048 : index
    %get3A_162 = vector.load %arg1[%get3A_160, %get3A_161] : memref<8x3072xf32, #tpu.memory_space<vmem>>, vector<8x1024xf32>
    %sub3A_163 = arith.constant 1.000000e+00 : f32
    %sub3A_164 = vector.broadcast %sub3A_163 : f32 to vector<8x1024xf32>
    %sub3A_165 = arith.subf %get3A_162, %sub3A_164 : vector<8x1024xf32>
    %exp3A_166 = math.exp %sub3A_165 : vector<8x1024xf32>
    %get3A_167 = arith.constant 0 : index
    %get3A_168 = arith.constant 2048 : index
    %get3A_169 = vector.load %arg2[%get3A_167, %get3A_168] : memref<8x3072xf32, #tpu.memory_space<vmem>>, vector<8x1024xf32>
    %mul3A_170 = arith.mulf %exp3A_166, %get3A_169 : vector<8x1024xf32>
    %get3A_171 = arith.constant 0 : index
    %get3A_172 = arith.constant 2048 : index
    %get3A_173 = vector.load %arg3[%get3A_171, %get3A_172] : memref<8x3072xf32, #tpu.memory_space<vmem>>, vector<8x1024xf32>
    %mul3A_174 = arith.mulf %exp3A_166, %get3A_173 : vector<8x1024xf32>
    %gt3A_175 = vector.broadcast %xor3A_44 : vector<8x1xi32> to vector<8x1024xi32>
    %gt3A_176 = arith.cmpi sgt, %get3A_159, %gt3A_175 : vector<8x1024xi32>
    %convert_element_type3A_177 = arith.extui %gt3A_176 : vector<8x1024xi1> to vector<8x1024xi32>
    %convert_element_type3A_178 = arith.sitofp %convert_element_type3A_177 : vector<8x1024xi32> to vector<8x1024xf32>
    %eq3A_179 = vector.broadcast %xor3A_44 : vector<8x1xi32> to vector<8x1024xi32>
    %eq3A_180 = arith.cmpi eq, %get3A_159, %eq3A_179 : vector<8x1024xi32>
    %convert_element_type3A_181 = arith.extui %eq3A_180 : vector<8x1024xi1> to vector<8x1024xi32>
    %convert_element_type3A_182 = arith.sitofp %convert_element_type3A_181 : vector<8x1024xi32> to vector<8x1024xf32>
    %mul3A_183 = arith.mulf %mul3A_170, %convert_element_type3A_178 : vector<8x1024xf32>
    %reduce_sum3A_184 = arith.constant dense<0.000000e+00> : vector<8xf32>
    %reduce_sum3A_185 = vector.multi_reduction <add>, %mul3A_183, %reduce_sum3A_184 [1] : vector<8x1024xf32> to vector<8xf32>
    %broadcast_in_dim3A_186 = vector.shape_cast %reduce_sum3A_185 : vector<8xf32> to vector<8x1xf32>
    %add3A_187 = arith.addf %add3A_133, %broadcast_in_dim3A_186 : vector<8x1xf32>
    %mul3A_188 = arith.mulf %mul3A_174, %convert_element_type3A_178 : vector<8x1024xf32>
    %reduce_sum3A_189 = arith.constant dense<0.000000e+00> : vector<8xf32>
    %reduce_sum3A_190 = vector.multi_reduction <add>, %mul3A_188, %reduce_sum3A_189 [1] : vector<8x1024xf32> to vector<8xf32>
    %broadcast_in_dim3A_191 = vector.shape_cast %reduce_sum3A_190 : vector<8xf32> to vector<8x1xf32>
    %add3A_192 = arith.addf %add3A_138, %broadcast_in_dim3A_191 : vector<8x1xf32>
    %mul3A_193 = arith.mulf %mul3A_170, %convert_element_type3A_182 : vector<8x1024xf32>
    %reduce_sum3A_194 = arith.constant dense<0.000000e+00> : vector<8xf32>
    %reduce_sum3A_195 = vector.multi_reduction <add>, %mul3A_193, %reduce_sum3A_194 [1] : vector<8x1024xf32> to vector<8xf32>
    %broadcast_in_dim3A_196 = vector.shape_cast %reduce_sum3A_195 : vector<8xf32> to vector<8x1xf32>
    %add3A_197 = arith.addf %add3A_143, %broadcast_in_dim3A_196 : vector<8x1xf32>
    %mul3A_198 = arith.mulf %mul3A_174, %convert_element_type3A_182 : vector<8x1024xf32>
    %reduce_sum3A_199 = arith.constant dense<0.000000e+00> : vector<8xf32>
    %reduce_sum3A_200 = vector.multi_reduction <add>, %mul3A_198, %reduce_sum3A_199 [1] : vector<8x1024xf32> to vector<8xf32>
    %broadcast_in_dim3A_201 = vector.shape_cast %reduce_sum3A_200 : vector<8xf32> to vector<8x1xf32>
    %add3A_202 = arith.addf %add3A_148, %broadcast_in_dim3A_201 : vector<8x1xf32>
    %reduce_sum3A_203 = arith.constant dense<0.000000e+00> : vector<8xf32>
    %reduce_sum3A_204 = vector.multi_reduction <add>, %convert_element_type3A_178, %reduce_sum3A_203 [1] : vector<8x1024xf32> to vector<8xf32>
    %broadcast_in_dim3A_205 = vector.shape_cast %reduce_sum3A_204 : vector<8xf32> to vector<8x1xf32>
    %add3A_206 = arith.addf %add3A_152, %broadcast_in_dim3A_205 : vector<8x1xf32>
    %reduce_sum3A_207 = arith.constant dense<0.000000e+00> : vector<8xf32>
    %reduce_sum3A_208 = vector.multi_reduction <add>, %convert_element_type3A_182, %reduce_sum3A_207 [1] : vector<8x1024xf32> to vector<8xf32>
    %broadcast_in_dim3A_209 = vector.shape_cast %reduce_sum3A_208 : vector<8xf32> to vector<8x1xf32>
    %add3A_210 = arith.addf %add3A_156, %broadcast_in_dim3A_209 : vector<8x1xf32>
    %sub3A_211 = arith.constant 1.280000e+02 : f32
    %sub3A_212 = vector.broadcast %sub3A_211 : f32 to vector<8x1xf32>
    %sub3A_213 = arith.subf %sub3A_212, %add3A_206 : vector<8x1xf32>
    %max3A = arith.constant 1.000000e+00 : f32
    %max3A_214 = vector.broadcast %max3A : f32 to vector<8x1xf32>
    %max3A_215 = arith.maximumf %add3A_210, %max3A_214 : vector<8x1xf32>
    %div3A = arith.divf %sub3A_213, %max3A_215 : vector<8x1xf32>
    %mul3A_216 = arith.mulf %div3A, %add3A_197 : vector<8x1xf32>
    %add3A_217 = arith.addf %add3A_187, %mul3A_216 : vector<8x1xf32>
    %mul3A_218 = arith.mulf %div3A, %add3A_202 : vector<8x1xf32>
    %add3A_219 = arith.addf %add3A_192, %mul3A_218 : vector<8x1xf32>
    %div3A_220 = arith.divf %add3A_219, %add3A_217 : vector<8x1xf32>
    %jit3A = arith.constant 1.000000e-03 : f32
    %jit3A_221 = arith.constant 9.990000e-01 : f32
    %max3A_222 = vector.broadcast %jit3A : f32 to vector<8x1xf32>
    %max3A_223 = arith.maximumf %max3A_222, %div3A_220 : vector<8x1xf32>
    %min3A = vector.broadcast %jit3A_221 : f32 to vector<8x1xf32>
    %min3A_224 = arith.minimumf %min3A, %max3A_223 : vector<8x1xf32>
    %swap3A_225 = arith.constant 0 : index
    %swap3A_226 = arith.constant 0 : index
    %swap3A_227 = vector.load %arg4[%swap3A_225, %swap3A_226] : memref<8x1xf32, #tpu.memory_space<vmem>>, vector<8x1xf32>
    tpu.vector_store %arg4[%swap3A_225, %swap3A_226], %min3A_224 {strides = array<i32>} : memref<8x1xf32, #tpu.memory_space<vmem>>, vector<8x1xf32>,
    return
  }
  func.func @transform_0(%arg0: i32) -> (i32, i32) {
    %c0_i32 = arith.constant 0 : i32
    %c0_i32_0 = arith.constant 0 : i32
    return %arg0, %c0_i32 : i32, i32
  }
  func.func @transform_1(%arg0: i32) -> (i32, i32) {
    %c0_i32 = arith.constant 0 : i32
    %c0_i32_0 = arith.constant 0 : i32
    return %arg0, %c0_i32 : i32, i32
  }
  func.func @transform_2(%arg0: i32) -> (i32, i32) {
    %c0_i32 = arith.constant 0 : i32
    %c0_i32_0 = arith.constant 0 : i32
    return %arg0, %c0_i32 : i32, i32
  }
  func.func @transform_3(%arg0: i32) -> (i32, i32) {
    %c0_i32 = arith.constant 0 : i32
    %c0_i32_0 = arith.constant 0 : i32
    return %arg0, %c0_i32 : i32, i32
  }
}

</mosaic_0001>

<sc_bundles>
// kernel: kernel.6.cloned.1.call-start
scs
__scs_entry_jumppad:
0x0: {  	(pc) =	sbr.rel $0x88, $3  }
0x1: {  	(tag) =	ssettag $0x0;
	lr =	simm.s32 $0x1  }
0x2: {  	[smem:$0x3F9D] =	sst lr;
	_ =	strace $0xD0000000  }
0x3: {  	_ = 	snop  }
0x4: {  	_ = 	snop  }
0x5: {  	_ = 	snop  }
0x6: {  	_ = 	snop  }
0x7: {  	_ = 	snop  }
__scs_overlays_trampoline_lowered:
0x8: {  	[smem:$0x3FAC] =	sst s0  }
0x9: {  	[smem:$0x3FAD] =	sst s1  }
0xa: {  	[smem:$0x3FAE] =	sst s2  }
0xb: {  	[smem:$0x3FAF] =	sst s3  }
0xc: {  	[smem:$0x3FB0] =	sst s4  }
0xd: {  	[smem:$0x3FB1] =	sst s5  }
0xe: {  	[smem:$0x3FB2] =	sst s6  }
0xf: {  	[smem:$0x3FB3] =	sst s7  }
0x10: {  	[smem:$0x3FB4] =	sst s8  }
0x11: {  	[smem:$0x3FB5] =	sst s9;
	s0 =	simm.s32 @!p0 $0x0  }
0x12: {  	s1 =	sld [smem:$0x3F9B];
	s0 =	simm.s32 @p0 $0x1  }
0x13: {  	[smem:$0x3FB6] =	sst s0;
	s0 =	simm.s32 @!p1 $0x0  }
0x14: {  	s2 =	sld [smem:$0x3F9A];
	s0 =	simm.s32 @p1 $0x1  }
0x15: {  	[smem:$0x3FB7] =	sst s0;
	s0 =	simm.s32 @!p2 $0x0  }
0x16: {  	s3 =	sld [smem:$0x3FDB];
	s0 =	simm.s32 @p2 $0x1  }
0x17: {  	s4 =	simm.s32 $0x1BF5;
	[smem:$0x3FB9] =	sst s0  }
0x18: {  	s0 =	sld [smem:$0x3F9C];
	_ =	swait.ge [sflag:s4], $0x0  }
0x19: {  	s7 =	sld [smem:$0x3F9D]  }
0x1a: {  	s8 =	sadd.s32 $0xFFFFE003, lr  }
0x1b: {  	s9 =	sadd.s32 $0xFFFFFEF7, lr;
	s5 =	simm.s32 $0xFFFFFFFF;
	p2 =	slt.u32 s8, $0xFFFFF086  }
0x1c: {  	p1 =	slt.u32 s9, $0xF7A;
	s5 =	simm.s32 @!p2 $0x0  }
0x1d: {  	s5 =	simm.s32 @p1 $0x1;
	p0 =	seq.s32 s7, s2  }
0x1e: {  	s7 =	smul.u32 @!p0 $0xF7A, s2;
	p2 =	seq.s32 @!p0 s5, $0x0  }
0x1f: {  	s9 =	smul.u32 $0xF7A, s1;
	s8 =	simm.s32 @!p0 $0x1BF5;
	p2 =	por !p2, p0  }
0x20: {  	[sflag:s8] =	ssyncset.s32 @!p0 $0xFFFFF086;
	s6 =	sadd.s32 @!p0 s3, s7;
	s7 =	simm.s32 @!p0 $0x108  }
0x21: {  	s3 =	sadd.s32 s3, s9;
	s6 =	sadd.s32 @!p0 $0x88, s6;
	s7 =	simm.s32 @p2 $0x1082  }
0x22: {  	[simem:s7], [sflag:s8] =	dma.local @!p0 [hbm:s6], $0xF7A  }
0x23: {  	s9 =	sor.u32 $0xD0000000, s2;
	s6 =	simm.s32 $0x108;
	_ =	swait.ge @!p0 [sflag:s8], $0x0  }
0x24: {  	s3 =	sadd.s32 $0x88, s3;
	s6 =	simm.s32 @!p1 $0x1082;
	[sflag:s4] =	ssyncset.s32 $0xFFFFF086  }
0x25: {  	[simem:s6], [sflag:s4] =	dma.local [hbm:s3], $0xF7A  }
0x26: {  	[smem:$0x3F9D] =	sst s1;
	(tag) =	ssettag s2;
	_ =	strace s9  }
0x27: {  	s1 =	sld [smem:$0x3FAD]  }
0x28: {  	s2 =	sld [smem:$0x3FAE]  }
0x29: {  	s4 =	sld [smem:$0x3FB0]  }
0x2a: {  	p0 =	seq.s32 s5, $0x0;
	s5 =	sld [smem:$0x3FB1]  }
0x2b: {  	s6 =	sld [smem:$0x3FB2]  }
0x2c: {  	s7 =	sld [smem:$0x3FB3]  }
0x2d: {  	s3 =	simm.s32 $0x108;
	s8 =	sld [smem:$0x3FB4]  }
0x2e: {  	s3 =	simm.s32 @!p0 $0x1082;
	s9 =	sld [smem:$0x3FB5]  }
0x2f: {  	lr =	sadd.s32 s0, s3;
	s0 =	sld [smem:$0x3FAC]  }
0x30: {  	s3 =	sld [smem:$0x3FAF]  }
0x31: {  	[smem:$0x3FB8] =	sst s10  }
0x32: {  	s10 =	sld [smem:$0x3FB6];
	_ =	sdelay $0x3  }
0x33: {  	p0 =	seq.s32 s10, $0x1;
	s10 =	sld [smem:$0x3FB8];
	_ =	sdelay $0x3  }
0x34: {  	[smem:$0x3FB8] =	sst s10  }
0x35: {  	s10 =	sld [smem:$0x3FB7];
	_ =	sdelay $0x3  }
0x36: {  	p1 =	seq.s32 s10, $0x1;
	s10 =	sld [smem:$0x3FB8];
	_ =	sdelay $0x3  }
0x37: {  	[smem:$0x3FB8] =	sst s10  }
0x38: {  	s10 =	sld [smem:$0x3FB9]  }
0x39: {  	_ = 	snop;
	(pc) =	sbr.ind lr, $3  }
0x3a: {  	_ = 	snop  }
0x3b: {  	_ = 	snop  }
0x3c: {  	p2 =	seq.s32 s10, $0x1;
	s10 =	sld [smem:$0x3FB8]  }
0x3d: {  	_ =	shalt  }
0x3e: {  	_ =	shalt  }
0x3f: {  	_ =	shalt  }
0x40: {  	_ =	shalt  }
0x41: {  	_ =	shalt  }
0x42: {  	_ =	shalt  }
0x43: {  	_ =	shalt  }
0x44: {  	_ =	shalt  }
0x45: {  	_ =	shalt  }
0x46: {  	_ =	shalt  }
0x47: {  	_ =	shalt  }
0x48: {  	_ =	shalt  }
0x49: {  	_ =	shalt  }
0x4a: {  	_ =	shalt  }
0x4b: {  	_ =	shalt  }
0x4c: {  	_ =	shalt  }
0x4d: {  	_ =	shalt  }
0x4e: {  	_ =	shalt  }
0x4f: {  	_ =	shalt  }
0x50: {  	_ =	shalt  }
0x51: {  	_ =	shalt  }
0x52: {  	_ =	shalt  }
0x53: {  	_ =	shalt  }
0x54: {  	_ =	shalt  }
0x55: {  	_ =	shalt  }
0x56: {  	_ =	shalt  }
0x57: {  	_ =	shalt  }
0x58: {  	_ =	shalt  }
0x59: {  	_ =	shalt  }
0x5a: {  	_ =	shalt  }
0x5b: {  	_ =	shalt  }
0x5c: {  	_ =	shalt  }
0x5d: {  	_ =	shalt  }
0x5e: {  	_ =	shalt  }
0x5f: {  	_ =	shalt  }
0x60: {  	_ =	shalt  }
0x61: {  	_ =	shalt  }
0x62: {  	_ =	shalt  }
0x63: {  	_ =	shalt  }
0x64: {  	_ =	shalt  }
0x65: {  	_ =	shalt  }
0x66: {  	_ =	shalt  }
0x67: {  	_ =	shalt  }
0x68: {  	_ =	shalt  }
0x69: {  	_ =	shalt  }
0x6a: {  	_ =	shalt  }
0x6b: {  	_ =	shalt  }
0x6c: {  	_ =	shalt  }
0x6d: {  	_ =	shalt  }
0x6e: {  	_ =	shalt  }
0x6f: {  	_ =	shalt  }
0x70: {  	_ =	shalt  }
0x71: {  	_ =	shalt  }
0x72: {  	_ =	shalt  }
0x73: {  	_ =	shalt  }
0x74: {  	_ =	shalt  }
0x75: {  	_ =	shalt  }
0x76: {  	_ =	shalt  }
0x77: {  	_ =	shalt  }
0x78: {  	_ =	shalt  }
0x79: {  	_ =	shalt  }
0x7a: {  	_ =	shalt  }
0x7b: {  	_ =	shalt  }
0x7c: {  	_ =	shalt  }
0x7d: {  	_ =	shalt  }
0x7e: {  	_ =	shalt  }
0x7f: {  	_ =	shalt  }
0x80: {  	_ =	shalt  }
0x81: {  	_ =	shalt  }
0x82: {  	_ =	shalt  }
0x83: {  	_ =	shalt  }
0x84: {  	_ =	shalt  }
0x85: {  	_ =	shalt  }
0x86: {  	_ =	shalt  }
0x87: {  	_ =	shalt  }
.Lfunc_end0:
.L_simem_size_0:
called_computation.1_lowered:
.L_overlay_start_0:
0x88: {  	s2 =	sld [smem:$0x3FD9]  }
0x89: {  	s3 =	sld [smem:$0x3FFE];
	_ =	sdelay $0x1  }
0x8a: {  	s1 =	srdreg.scid  }
0x8b: {  	s0 =	sand.u32 $0x1, s1  }
0x8c: {  	s16 =	sshll.u32 s0, $0xA;
	s2 =	sadd.s32 s3, s2  }
0x8d: {  	s2 =	sadd.s32 s2, s16  }
0x8e: {  	[smem:$0x3FC4] =	sst s2  }
0x8f: {  	_ = 	snop  }
0x90: {  	(tm) =	ssettm $0x1  }
0x91: {  	s17 =	sld [smem:$0x3FFB];
	_ =	sdelay $0x3  }
0x92: {  	_ =	strace s17  }
0x93: {  	s2 =	sld [smem:$0x3FFC];
	_ =	sdelay $0x3  }
0x94: {  	_ =	strace s2  }
0x95: {  	s2 =	sld [smem:$0x3FFD];
	_ =	sdelay $0x3  }
0x96: {  	_ =	strace s2  }
0x97: {  	_ =	strace $0x8FFFFFFF  }
0x98: {  	s18 =	sld [smem:$0x3FDB];
	_ =	sdelay $0x1  }
0x99: {  	s19 =	simm.s32 $_scs_section_size  }
0x9a: {  	s4 =	simm.s32 $_size__tile_overlayer_lowered;
	s5 =	simm.s32 $_tile_overlayer_lowered  }
0x9b: {  	s22 =	simm.s32 $0x1BFF;
	s21 =	sshll.u32 s5, $0x1;
	s2 =	sadd.s32 s19, s18  }
0x9c: {  	s6 =	simm.s32 $0x0;
	s20 =	sshll.u32 s4, $0x1;
	s4 =	sadd.s32 s21, s2  }
0x9d: {  	[timem:s6], [sflag:s22] =	dma.local [hbm:s4], s20  }
0x9e: {  	_ =	swait.ge [sflag:s22], s20  }
0x9f: {  	s3 =	ssub.s32 $0x0, s20;
	[sflag:s22] =	ssyncset.done $0x0  }
0xa0: {  	[sflag:s22] =	ssyncadd.s32 s3;
	_ =	sdelay $0x1  }
0xa1: {  	s23 =	simm.s32 $0x1B8B  }
0xa2: {  	_ =	swait.ge [sflag:s23], $0x1  }
0xa3: {  	[sflag:s23] =	ssyncset.done $0x0  }
0xa4: {  	s25 =	simm.s32 $0x1B8E;
	s24 =	sld [smem:$0x3FFE];
	[sflag:s23] =	ssyncadd.s32 $0xFFFFFFFF  }
0xa5: {  	s26 =	simm.s32 $execute0_lowered;
	[smem:$0x3FD2] =	sst s25  }
0xa6: {  	s4 =	sshll.u32 s26, $0x1;
	_ =	strace $0x80000049;
	[dreg:$0x1] =	wrdreg $0xFFFFFFFF  }
0xa7: {  	s28 =	simm.s32 $_size_execute0_lowered;
	s2 =	sadd.s32 s2, s4;
	[dreg:$0x0] =	wrdreg $0x0  }
0xa8: {  	s4 =	sshll.u32 s28, $0x1;
	[dreg:$0x2] =	wrdreg s2  }
0xa9: {  	[dreg:$0x3] =	wrdreg s4  }
0xaa: {  	[dreg:$0x4] =	wrdreg $0xC0  }
0xab: {  	_ =	task [dreg:s6], $0x5FFFF  }
0xac: {  	[dreg:$0x1] =	wrdreg $0xFFFFFFFF  }
0xad: {  	[dreg:$0x0] =	wrdreg $0x60  }
0xae: {  	[dreg:$0x2] =	wrdreg s24  }
0xaf: {  	[dreg:$0x3] =	wrdreg $0x9  }
0xb0: {  	_ =	task.clear_ibuf [dreg:s6], $0x4FFFF;
	_ =	strace $0x90000049  }
0xb1: {  	s29 =	simm.s32 $0x9;
	_ =	strace $0x8000004B  }
0xb2: {  	_ =	swait.ge [sflag:s29], $0x1  }
0xb3: {  	[sflag:s29] =	ssyncadd.s32 $0xFFFFFFFF  }
0xb4: {  	_ =	strace $0x9000004B  }
0xb5: {  	_ =	sfence  }
0xb6: {  	s30 =	sld [smem:$0x0];
	_ =	sdelay $0x2  }
0xb7: {  	s31 =	sshll.u32 s1, $0xD;
	s1 =	sshrl.u32 s1, $0x2  }
0xb8: {  	s3 =	sand.u32 $0x4000, s31;
	s1 =	sadd.s32 s1, s30  }
0xb9: {  	s0 =	sor.u32 s3, s0;
	s1 =	sshll.u32 s1, $0x11  }
0xba: {  	s0 =	sor.u32 s1, s0  }
0xbb: {  	s0 =	sadd.s32 $0x8F2B, s0  }
0xbc: {  	[sflag:s0] =	ssyncadd.remote.s32 $0x1  }
0xbd: {  	_ =	sfence.sel $0xFFFF  }
0xbe: {  	[dreg:$0x0] =	wrdreg $0xFFFFFFFF;
	(pc) =	sbr.abs _section_cstart, $3  }
0xbf: {  	[dreg:$0x1] =	wrdreg $0xFFFFFFFF  }
0xc0: {  	_ =	task.clear_ibuf [dreg:s6], $0x2FFFF;
	_ =	strace $0x9FFFFFFF  }
0xc1: {  	(tm) =	ssettm $0x7FFFFFFF  }
tec
execute0_lowered:
.L_overlay_start_1:
0x0: {  	(tag) =	ssettag $0x1  }
0x1: {  	s0 =	rddreg [dreg:$0x0]  }
0x2: {  	s1 =	simm.s32 $0x0;
	s6 =	srdreg.scid;
	s13 =	stileid.u32  }
0x3: {  	s15 =	simm.s32 $0x1890;
	s16 =	simm.s32 $0x18F0;
	s17 =	simm.s32 $0x60  }
0x4: {  	s18 =	simm.s32 $0x1950;
	s19 =	simm.s32 $0x1A10;
	s20 =	simm.s32 $0x19B0  }
0x5: {  	s21 =	simm.s32 $0x2010;
	s22 =	simm.s32 $0x2610;
	s23 =	simm.s32 $0x2C10  }
0x6: {  	s24 =	simm.s32 $0x3210;
	s25 =	simm.s32 $0x3810;
	s26 =	simm.s32 $0x1  }
0x7: {  	[smem:$0x7FF] =	sst s1;
	s2 =	sadd.s32 $0x1200, s0;
	s3 =	sadd.s32 $0xCB600, s0  }
0x8: {  	s4 =	sadd.s32 $0xDCF600, s0;
	s5 =	sadd.s32 $0xC8400, s0;
	s6 =	sand.u32 $0x1, s6  }
0x9: {  	s7 =	sadd.s32 $0xC5200, s0;
	s8 =	sadd.s32 $0x12BE00, s0;
	s10 =	ssub.s32 $0x2, s6  }
0xa: {  	s9 =	sadd.s32 $0xCBE00, s0;
	s30 =	sshll.u32 s13, $0x6;
	s11 =	sshrl.u32 s10, $0x1  }
0xb: {  	s13 =	simm.s32 $0x2;
	_ =	strace $0x8000004A;
	s12 =	ssub.s32 s10, s11  }
0xc: {  	s6 =	sshll.u32 s6, $0x5;
	s10 =	sadd.s32 $0x18BE00, s0;
	s31 =	smax.u32 s12, $0x1  }
0xd: {  	v0 =	vimm.s32 $0x187F;
	v1 =	vimm.s32 $0x0;
	v2 =	vlaneseq.u32;
	s11 =	sor.u32 s6, s30;
	s6 =	simm.s32 $0x0;
	[dreg:$0x2] =	wrdreg s31  }
.LBB2_1:
0xe: {  	[dreg:$0x3] =	wrdreg s6;
	s29 =	simm.s32 $0x0  }
.LBB2_2:
0xf: {  	s30 =	sadd.s32 s11, s29  }
0x10: {  	s31 =	smul.u32 $0x1880, s30;
	_ =	sdelay $0x1  }
0x11: {  	s0 =	sshrl.u32 s31, $0x3  }
0x12: {  	s6 =	sadd.s32 s2, s0;
	s0 =	simm.s32 $0x0  }
0x13: {  	[tilespmem:s0], [sflag:$0x2] =	stream.linear.gather [hbm4b:s6+s0], $0x1880, $0x38;
	[tilespmem:$0x3E10] =	vst v63  }
0x14: {  	_ =	swait.ge [sflag:s13], $0x1880  }
0x15: {  	s14 =	sshll.u32 s30, $0x1;
	[sflag:s13] =	ssyncset.done $0x0  }
0x16: {  	s12 =	simm.s32 $0x1880;
	s6 =	sadd.s32 s3, s14;
	[sflag:s13] =	ssyncadd.s32 $0xFFFFE780  }
0x17: {  	[tilespmem:s12], [sflag:$0x2] =	stream.linear.gather [hbm4b:s6+s0], $0x10, $0x38;
	[tilespmem:$0x3E10] =	vst v63  }
0x18: {  	_ =	swait.ge [sflag:s13], $0x10  }
0x19: {  	[sflag:s13] =	ssyncset.done $0x0  }
0x1a: {  	[sflag:s13] =	ssyncadd.s32 $0xFFFFFFF0  }
0x1b: {  	[tilespmem:$0x1890] =	vst v0  }
0x1c: {  	[tilespmem:$0x18F0] =	vst v0  }
0x1d: {  	[tilespmem:$0x18A0] =	vst v0  }
0x1e: {  	[tilespmem:$0x1900] =	vst v0  }
0x1f: {  	[tilespmem:$0x18B0] =	vst v0  }
0x20: {  	[tilespmem:$0x1910] =	vst v0  }
0x21: {  	[tilespmem:$0x18C0] =	vst v0  }
0x22: {  	[tilespmem:$0x1920] =	vst v0  }
0x23: {  	[tilespmem:$0x18D0] =	vst v0  }
0x24: {  	[tilespmem:$0x1930] =	vst v0  }
0x25: {  	[tilespmem:$0x18E0] =	vst v0  }
0x26: {  	[tilespmem:$0x1940] =	vst v0;
	v3 =	vld [tilespmem:$0x1880]  }
0x27: {  	v4 =	vld [tilespmem:s0+$0x0];
	_ =	sdelay $0x4  }
0x28: {  	vm0 =	vge.f32 v4, v3  }
0x29: {  	v4 =	vsel vm0, $0x1, v1  }
0x2a: {  	(xrf0) =	vadd.scan.msk.s32 $0xffff, v4;
	_ =	sdelay $0x5  }
0x2b: {  	v4, _, _ =	vpop (xrf0)  }
0x2c: {  	(v2sf) =	vpush v4, $0xF  }
0x2d: {  	v4 =	vadd.s32 s0, v4  }
0x2e: {  	v5 =	vadd.s32 $0xFFFFFFFF, v4  }
0x2f: {  	v4 =	vadd.s32 $0xFFFFFF9F, v4;
	vm1 =	vlt.s32 v5, $0x60  }
0x30: {  	vm2 =	vlt.u32 v4, $0x60;
	vm1 =	vmand vm0, vm1  }
0x31: {  	vm0 =	vmand vm0, vm2;
	_ =	sdelay $0x3  }
0x32: {  	v6 =	vor.u32 s0, v2  }
0x33: {  	[tilespmem:v5+s15+$0x0] =	vst.idx.msk vm1, v6  }
0x34: {  	s6 =	simm.s32 $0x10;
	[tilespmem:v4+s16+$0x0] =	vst.idx.msk vm0, v6  }
0x35: {  	v4 =	vld [tilespmem:s6+$0x0];
	_ =	sdelay $0x2  }
0x36: {  	s28 =	simm.s32 $0x10;
	s12 =	simm.s32 $0x20;
	s14 =	spop (v2sf)  }
.LBB2_3:
0x37: {  	p0 =	sne.s32 s12, $0x1870  }
0x38: {  	vm0 =	vge.f32 v4, v3;
	s0 =	sadd.s32 s0, s14;
	s14 =	smov.u32 s12;
	s12 =	sadd.s32 $0x10, s12  }
0x39: {  	v4 =	vsel vm0, $0x1, v1  }
0x3a: {  	(xrf0) =	vadd.scan.msk.s32 $0xffff, v4;
	_ =	sdelay $0x5  }
0x3b: {  	v4, _, _ =	vpop (xrf0)  }
0x3c: {  	v5 =	vadd.s32 s0, v4;
	(v2sf) =	vpush v4, $0xF  }
0x3d: {  	v4 =	vadd.s32 $0xFFFFFFFF, v5  }
0x3e: {  	v5 =	vadd.s32 $0xFFFFFF9F, v5;
	vm1 =	vlt.s32 v4, $0x60  }
0x3f: {  	vm2 =	vlt.u32 v5, $0x60;
	vm1 =	vmand vm0, vm1  }
0x40: {  	vm0 =	vmand vm0, vm2;
	_ =	sdelay $0x3  }
0x41: {  	v6 =	vor.u32 s6, v2;
	s6 =	smov.u32 s14  }
0x42: {  	[tilespmem:v4+s15+$0x0] =	vst.idx.msk vm1, v6  }
0x43: {  	s28 =	sadd.s32 $0x10, s28;
	[tilespmem:v5+s16+$0x0] =	vst.idx.msk vm0, v6  }
.Ltmp0:
0x44: {  	v4 =	vld [tilespmem:s28+$0x0];
	(pc) =	sbr.rel @p0 .LBB2_3-.Ltmp0, $2  }
0x45: {  	_ =	sdelay $0x2  }
0x46: {  	s14 =	spop (v2sf)  }
0x47: {  	vm0 =	vge.f32 v4, v3  }
0x48: {  	v3 =	vsel vm0, $0x1, v1  }
0x49: {  	(xrf0) =	vadd.scan.msk.s32 $0xffff, v3;
	_ =	sdelay $0x5  }
0x4a: {  	s0 =	sadd.s32 s0, s14;
	v3, _, _ =	vpop (xrf0)  }
0x4b: {  	v51 =	vadd.s32 s0, v3  }
0x4c: {  	v5 =	vadd.s32 $0xFFFFFFFF, v51  }
0x4d: {  	v4 =	vadd.s32 $0xFFFFFF9F, v51;
	vm1 =	vlt.s32 v5, $0x60  }
0x4e: {  	vm2 =	vlt.u32 v4, $0x60;
	vm1 =	vmand vm0, vm1  }
0x4f: {  	vm0 =	vmand vm0, vm2;
	_ =	sdelay $0x3  }
0x50: {  	v6 =	vor.u32 s6, v2  }
0x51: {  	[tilespmem:v5+s15+$0x0] =	vst.idx.msk vm1, v6  }
0x52: {  	[tilespmem:v4+s16+$0x0] =	vst.idx.msk vm0, v6  }
0x53: {  	v4 =	vld [tilespmem:$0x1890]  }
0x54: {  	v5 =	vld [tilespmem:$0x18F0]  }
0x55: {  	v6 =	vld [tilespmem:$0x18A0]  }
0x56: {  	v7 =	vld [tilespmem:$0x1900]  }
0x57: {  	v8 =	vld [tilespmem:$0x18B0]  }
0x58: {  	v9 =	vld [tilespmem:$0x1910];
	v4 =	vadd.s32 s31, v4  }
0x59: {  	v53 =	vld [tilespmem:$0x18C0];
	v52 =	vadd.s32 s31, v5;
	[tilespmem:$0x1950] =	vst v4  }
0x5a: {  	v55 =	vld [tilespmem:$0x1920];
	v54 =	vadd.s32 s31, v6;
	[tilespmem:$0x19B0] =	vst v52  }
0x5b: {  	v57 =	vld [tilespmem:$0x18D0];
	v56 =	vadd.s32 s31, v7;
	[tilespmem:$0x1960] =	vst v54  }
0x5c: {  	v59 =	vld [tilespmem:$0x1930];
	v58 =	vadd.s32 s31, v8;
	[tilespmem:$0x19C0] =	vst v56  }
0x5d: {  	v61 =	vld [tilespmem:$0x18E0];
	v60 =	vadd.s32 s31, v9;
	[tilespmem:$0x1970] =	vst v58  }
0x5e: {  	v63 =	vld [tilespmem:$0x1940];
	v62 =	vadd.s32 s31, v53;
	[tilespmem:$0x19D0] =	vst v60  }
0x5f: {  	(v2sf) =	vpush v3, $0xF;
	v3 =	vadd.s32 s31, v55;
	[tilespmem:$0x1980] =	vst v62  }
0x60: {  	[tilespmem:$0x19E0] =	vst v3;
	v3 =	vadd.s32 s31, v57  }
0x61: {  	[tilespmem:$0x1990] =	vst v3;
	v3 =	vadd.s32 s31, v59  }
0x62: {  	[tilespmem:$0x19F0] =	vst v3;
	v3 =	vadd.s32 s31, v61  }
0x63: {  	[tilespmem:$0x19A0] =	vst v3;
	v3 =	vadd.s32 s31, v63  }
0x64: {  	[tilespmem:$0x1A00] =	vst v3  }
0x65: {  	[tilespmem:s19], [sflag:$0x1] =	stream.indirect.gather [hbm4b:s4+s17], $0x10, s18, s17, $0xb8;
	[tilespmem:$0x3E10] =	vst v63  }
0x66: {  	_ = 	snop  }
0x67: {  	[tilespmem:s21], [sflag:$0x1] =	stream.indirect.gather [hbm4b:s4+s17], $0x10, s20, s17, $0xb8;
	[tilespmem:$0x3E10] =	vst v63  }
0x68: {  	_ = 	snop  }
0x69: {  	[tilespmem:s22], [sflag:$0x1] =	stream.indirect.gather [hbm4b:s5+s17], $0x10, s15, s17, $0xb8;
	[tilespmem:$0x3E10] =	vst v63  }
0x6a: {  	_ = 	snop  }
0x6b: {  	[tilespmem:s23], [sflag:$0x1] =	stream.indirect.gather [hbm4b:s5+s17], $0x10, s16, s17, $0xb8;
	[tilespmem:$0x3E10] =	vst v63  }
0x6c: {  	_ = 	snop  }
0x6d: {  	[tilespmem:s24], [sflag:$0x1] =	stream.indirect.gather [hbm4b:s7+s17], $0x10, s15, s17, $0xb8;
	[tilespmem:$0x3E10] =	vst v63  }
0x6e: {  	s28 =	spop (v2sf)  }
0x6f: {  	[tilespmem:s25], [sflag:$0x1] =	stream.indirect.gather [hbm4b:s7+s17], $0x10, s16, s17, $0xb8;
	[tilespmem:$0x3E10] =	vst v63  }
0x70: {  	_ =	swait.ge [sflag:s26], $0x600  }
0x71: {  	[sflag:s26] =	ssyncset.done $0x0  }
0x72: {  	[sflag:s26] =	ssyncadd.s32 $0xFFFFFA00  }
0x73: {  	_ =	swait.ge [sflag:s26], $0x600  }
0x74: {  	[sflag:s26] =	ssyncset.done $0x0  }
0x75: {  	[sflag:s26] =	ssyncadd.s32 $0xFFFFFA00  }
0x76: {  	_ =	swait.ge [sflag:s26], $0x600  }
0x77: {  	[sflag:s26] =	ssyncset.done $0x0  }
0x78: {  	[sflag:s26] =	ssyncadd.s32 $0xFFFFFA00  }
0x79: {  	_ =	swait.ge [sflag:s26], $0x600  }
0x7a: {  	[sflag:s26] =	ssyncset.done $0x0  }
0x7b: {  	[sflag:s26] =	ssyncadd.s32 $0xFFFFFA00  }
0x7c: {  	_ =	swait.ge [sflag:s26], $0x600  }
0x7d: {  	[sflag:s26] =	ssyncset.done $0x0  }
0x7e: {  	[sflag:s26] =	ssyncadd.s32 $0xFFFFFA00  }
0x7f: {  	s0 =	smul.u32 $0x180, s30;
	_ =	swait.ge [sflag:s26], $0x600  }
0x80: {  	[sflag:s26] =	ssyncset.done $0x0  }
0x81: {  	s30 =	sadd.s32 s8, s0;
	[sflag:s26] =	ssyncadd.s32 $0xFFFFFA00  }
0x82: {  	[hbm4b:s30+s1] =	stream.linear.scatter [tilespmem:s19], [sflag:$0x2], $0xC00, $0x38;
	[tilespmem:$0x3E10] =	vst v63  }
0x83: {  	_ =	swait.ge [sflag:s13], $0xC00  }
0x84: {  	[sflag:s13] =	ssyncset.done $0x0  }
0x85: {  	s31 =	sadd.s32 s9, s0;
	[sflag:s13] =	ssyncadd.s32 $0xFFFFF400  }
0x86: {  	[hbm4b:s31+s1] =	stream.linear.scatter [tilespmem:s22], [sflag:$0x2], $0xC00, $0x38;
	[tilespmem:$0x3E10] =	vst v63  }
0x87: {  	s29 =	sadd.s32 $0x1, s29;
	_ =	swait.ge [sflag:s13], $0xC00  }
0x88: {  	p0 =	sne.s32 s29, $0x20;
	[sflag:s13] =	ssyncset.done $0x0  }
.Ltmp1:
0x89: {  	s0 =	sadd.s32 s10, s0;
	[sflag:s13] =	ssyncadd.s32 $0xFFFFF400;
	(pc) =	sbr.rel @p0 .LBB2_2-.Ltmp1, $4  }
0x8a: {  	[hbm4b:s0+s1] =	stream.linear.scatter [tilespmem:s24], [sflag:$0x2], $0xC00, $0x38;
	[tilespmem:$0x3E10] =	vst v63  }
0x8b: {  	_ =	swait.ge [sflag:s13], $0xC00  }
0x8c: {  	[sflag:s13] =	ssyncset.done $0x0  }
0x8d: {  	[sflag:s13] =	ssyncadd.s32 $0xFFFFF400  }
0x8e: {  	s6 =	rddreg [dreg:$0x3]  }
0x8f: {  	s0 =	rddreg [dreg:$0x2];
	s6 =	sadd.s32 $0x1, s6  }
0x90: {  	p0 =	sne.s32 s6, s0  }
.Ltmp2:
0x91: {  	_ = 	snop;
	(pc) =	sbr.rel @p0 .LBB2_1-.Ltmp2, $1  }
0x92: {  	_ =	sdelay $0x3  }
0x93: {  	_ =	sfence.sel $0x180000  }
0x94: {  	[bflag:$0x0] =	sbarrier.arrive $0xFFFF  }
0x95: {  	_ =	strace $0x9000004A  }
0x96: {  	s0 =	stileid.u32;
	[bflag:$0x2] =	sbarrier.arrive $0xFFFF  }
0x97: {  	p0 =	sne.s32 s0, $0x0;
	s0 =	rddreg [dreg:$0x1]  }
0x98: {  	s0 =	sadd.s32 @!p0 $0x100000, s0  }
0x99: {  	[sflag:s0] =	ssyncadd.tile.s32 @!p0 $0x1;
	_ =	shalt  }
.Lfunc_end2:
_tile_overlayer_lowered:
.L_overlay_start_2:
0x9a: {  	(tag) =	ssettag $0x2  }
0x9b: {  	s0 =	rddreg [dreg:$0x0];
	s2 =	stileid.u32  }
0x9c: {  	s1 =	rddreg [dreg:$0x1];
	p0 =	sne.s32 s2, $0x0  }
0x9d: {  	s3 =	rddreg [dreg:$0x2];
	[bflag:$0x3] =	sbarrier.arrive $0xFFFF;
	s2 =	simm.s32 @!p0 $0x1C02  }
0x9e: {  	[timem:s3], [sflag:s2] =	dma.local @!p0 [hbm:s0], s1  }
0x9f: {  	s0 =	simm.s32 @!p0 $0x2  }
0xa0: {  	_ =	swait.ge @!p0 [sflag:s0], s1  }
0xa1: {  	s1 =	ssub.s32 @!p0 $0x0, s1;
	[sflag:s0] =	ssyncset.done @!p0 $0x0  }
0xa2: {  	[sflag:s0] =	ssyncadd.s32 @!p0 s1  }
0xa3: {  	[bflag:$0x3] =	sbarrier.arrive $0xFFFF  }
0xa4: {  	_ =	shalt  }

// kernel: sparse-core-data-format-call.cloned.1.call-start
scs
called_computation_lowered:
.L_overlay_start_0:
0x0: {  	s1 =	sld [smem:$0x3FD9]  }
0x1: {  	s2 =	sld [smem:$0x3FFE];
	_ =	sdelay $0x1  }
0x2: {  	s3 =	srdreg.scid  }
0x3: {  	s0 =	sand.u32 $0x1, s3  }
0x4: {  	s17 =	sshll.u32 s0, $0xA;
	s1 =	sadd.s32 s2, s1  }
0x5: {  	s1 =	sadd.s32 s1, s17  }
0x6: {  	[smem:$0x3FC4] =	sst s1  }
0x7: {  	_ = 	snop  }
0x8: {  	(tm) =	ssettm $0x1  }
0x9: {  	s18 =	sld [smem:$0x3FFB];
	_ =	sdelay $0x3  }
0xa: {  	_ =	strace s18  }
0xb: {  	s1 =	sld [smem:$0x3FFC];
	_ =	sdelay $0x3  }
0xc: {  	_ =	strace s1  }
0xd: {  	s1 =	sld [smem:$0x3FFD];
	_ =	sdelay $0x3  }
0xe: {  	_ =	strace s1  }
0xf: {  	_ =	strace $0x8FFFFFFF  }
0x10: {  	s19 =	sld [smem:$0x3FDB];
	_ =	sdelay $0x1  }
0x11: {  	s20 =	simm.s32 $_scs_section_size  }
0x12: {  	s4 =	simm.s32 $_size__tile_overlayer_lowered;
	s5 =	simm.s32 $_tile_overlayer_lowered  }
0x13: {  	s23 =	simm.s32 $0x1BFF;
	s22 =	sshll.u32 s5, $0x1;
	s1 =	sadd.s32 s20, s19  }
0x14: {  	s6 =	simm.s32 $0x0;
	s21 =	sshll.u32 s4, $0x1;
	s4 =	sadd.s32 s22, s1  }
0x15: {  	[timem:s6], [sflag:s23] =	dma.local [hbm:s4], s21  }
0x16: {  	_ =	swait.ge [sflag:s23], s21  }
0x17: {  	s2 =	ssub.s32 $0x0, s21;
	[sflag:s23] =	ssyncset.done $0x0  }
0x18: {  	[sflag:s23] =	ssyncadd.s32 s2;
	_ =	sdelay $0x1  }
0x19: {  	s24 =	simm.s32 $0x1B8B  }
0x1a: {  	_ =	swait.ge [sflag:s24], $0x1  }
0x1b: {  	[sflag:s24] =	ssyncset.done $0x0  }
0x1c: {  	s26 =	simm.s32 $0x1B8E;
	s25 =	sld [smem:$0x3FFE];
	[sflag:s24] =	ssyncadd.s32 $0xFFFFFFFF  }
0x1d: {  	s27 =	simm.s32 $execute0_lowered;
	[smem:$0x3FD2] =	sst s26  }
0x1e: {  	s4 =	sshll.u32 s27, $0x1;
	_ =	strace $0x80000046;
	[dreg:$0x1] =	wrdreg $0xFFFFFFFF  }
0x1f: {  	s28 =	simm.s32 $_size_execute0_lowered;
	s1 =	sadd.s32 s1, s4;
	[dreg:$0x0] =	wrdreg $0x0  }
0x20: {  	s4 =	sshll.u32 s28, $0x1;
	[dreg:$0x2] =	wrdreg s1  }
0x21: {  	[dreg:$0x3] =	wrdreg s4  }
0x22: {  	[dreg:$0x4] =	wrdreg $0xC0  }
0x23: {  	_ =	task [dreg:s6], $0x5FFFF  }
0x24: {  	[dreg:$0x1] =	wrdreg $0xFFFFFFFF  }
0x25: {  	[dreg:$0x0] =	wrdreg $0x60  }
0x26: {  	[dreg:$0x2] =	wrdreg s25  }
0x27: {  	[dreg:$0x3] =	wrdreg $0x9  }
0x28: {  	_ =	task.clear_ibuf [dreg:s6], $0x4FFFF;
	_ =	strace $0x90000046  }
0x29: {  	s29 =	simm.s32 $0x9;
	_ =	strace $0x80000048  }
0x2a: {  	_ =	swait.ge [sflag:s29], $0x1  }
0x2b: {  	[sflag:s29] =	ssyncadd.s32 $0xFFFFFFFF  }
0x2c: {  	_ =	strace $0x90000048  }
0x2d: {  	_ =	sfence  }
0x2e: {  	s30 =	sld [smem:$0x0];
	_ =	sdelay $0x2  }
0x2f: {  	s31 =	sshll.u32 s3, $0xD;
	s3 =	sshrl.u32 s3, $0x2  }
0x30: {  	s2 =	sand.u32 $0x4000, s31;
	s1 =	sadd.s32 s3, s30  }
0x31: {  	s0 =	sor.u32 s2, s0;
	s1 =	sshll.u32 s1, $0x11  }
0x32: {  	s0 =	sor.u32 s1, s0  }
0x33: {  	s0 =	sadd.s32 $0x8F2B, s0  }
0x34: {  	[sflag:s0] =	ssyncadd.remote.s32 $0x1  }
0x35: {  	_ =	sfence.sel $0xFFFF  }
0x36: {  	[dreg:$0x0] =	wrdreg $0xFFFFFFFF;
	(pc) =	sbr.abs _section_cstart, $3  }
0x37: {  	[dreg:$0x1] =	wrdreg $0xFFFFFFFF  }
0x38: {  	_ =	task.clear_ibuf [dreg:s6], $0x2FFFF;
	_ =	strace $0x9FFFFFFF  }
0x39: {  	(tm) =	ssettm $0x7FFFFFFF  }
tec
execute0_lowered:
.L_overlay_start_1:
0x0: {  	(tag) =	ssettag $0x1  }
0x1: {  	s1 =	rddreg [dreg:$0x0]  }
0x2: {  	s0 =	rddreg [dreg:$0x1]  }
0x3: {  	_ =	strace $0x80000047;
	s4 =	srdreg.scid;
	s6 =	simm.s32 $0x2  }
0x4: {  	s11 =	simm.s32 $0x0;
	p0 =	por $0x0, $0x0;
	s7 =	simm.s32 $0x18800  }
.Ltmp0:
0x5: {  	s12 =	simm.s32 $0x0;
	s9 =	simm.s32 $0x0;
	(pc) =	sbr.rel .LBB1_1-.Ltmp0, $4  }
0x6: {  	s2 =	sadd.s32 $0x18F600, s1;
	s3 =	sadd.s32 $0xDCF600, s1;
	s5 =	sshll.u32 s4, $0x4  }
0x7: {  	s1 =	stileid.u32;
	s4 =	simm.s32 $0x1;
	s5 =	sand.u32 $0x10, s5  }
0x8: {  	s8 =	simm.s32 $0x0;
	[sflag:s4] =	ssyncpa.u1 $0x0;
	s5 =	sor.u32 s1, s5  }
0x9: {  	[sflag:s6] =	ssyncpa.u1 $0x0;
	s6 =	simm.s32 $0x800;
	s10 =	smov.u32 s5  }
.LBB1_7:
0xa: {  	s13 =	sadd.s32 $0x10, s9  }
0xb: {  	s11 =	sadd.s32 $0x20, s10;
	s15 =	smov.u32 s10;
	p2 =	sgt.s32 s13, $0x30F  }
0xc: {  	p1 =	slt.u32 s8, $0x2;
	s15 =	smov.u32 @p2 s11  }
0xd: {  	s8 =	sadd.s32 $0x1, s8;
	s13 =	simm.s32 @p2 $0x0;
	p2 =	sgt.s32 s15, $0x7F  }
0xe: {  	s15 =	smov.u32 @p2 s5;
	p2 =	sne.s32 s8, $0xC6  }
.Ltmp1:
0xf: {  	_ = 	snop;
	(pc) =	sbr.rel @!p2 .LBB1_8-.Ltmp1, $4  }
0x10: {  	s14 =	simm.s32 @!p1 $0x2  }
0x11: {  	s12 =	smov.u32 s10;
	_ =	swait.ge @!p1 [sflag:s14], $0x4000  }
0x12: {  	p0 =	por !p0, !p0;
	s11 =	smov.u32 s9;
	[sflag:s14] =	ssyncset.done @!p1 $0x0  }
0x13: {  	s9 =	smov.u32 s13;
	[sflag:s14] =	ssyncadd.s32 @!p1 $0xFFFFC000;
	s10 =	smov.u32 s15  }
.LBB1_1:
0x14: {  	p1 =	sgt.u32 s8, $0xC3  }
0x15: {  	s13 =	smul.u32 @!p1 $0x18800, s10  }
0x16: {  	s14 =	sxor.u32 @!p1 $0xFFFFFFFF, s8  }
0x17: {  	s15 =	sshll.u32 @!p1 s9, $0x7;
	s14 =	sshll.u32 @!p1 s14, $0xE;
	s13 =	sadd.s32 @!p1 s2, s13  }
0x18: {  	s14 =	sand.u32 @!p1 $0x4000, s14;
	s13 =	sadd.s32 @!p1 s15, s13;
	s15 =	simm.s32 @!p1 $0x0  }
0x19: {  	[tilespmem:s14], [sflag:$0x1] =	stream.linear.gather @!p1 [hbm4b:s13+s15], $0x4000, $0x38;
	[tilespmem:$0x10000] =	vst v63  }
0x1a: {  	p1 =	seq.s32 s8, $0x0  }
0x1b: {  	p2 =	seq.s32 @!p1 s8, $0xC5  }
0x1c: {  	p1 =	por p1, p2  }
.Ltmp2:
0x1d: {  	_ = 	snop;
	(pc) =	sbr.rel @p1 .LBB1_7-.Ltmp2, $1  }
0x1e: {  	_ =	sdelay $0x3  }
0x1f: {  	s13 =	simm.s32 $0x1;
	_ =	swait.ge [sflag:s4], $0x4000;
	s16 =	sshll.u32 s8, $0xE  }
0x20: {  	s13 =	simm.s32 @!p0 $0x0;
	[sflag:s4] =	ssyncset.done $0x0;
	s31 =	sand.u32 $0x4000, s16  }
0x21: {  	s16 =	simm.s32 $0x0;
	s13 =	sshll.u32 s13, $0xE;
	[sflag:s4] =	ssyncadd.s32 $0xFFFFC000  }
0x22: {  	s14 =	sor.u32 $0x8040, s13;
	s15 =	sor.u32 $0x40, s13;
	s13 =	sor.u32 $0x8000, s31  }
.LBB1_3:
0x23: {  	v0 =	vmov s15;
	_ =	sdelay $0x3  }
0x24: {  	s18 =	simm.s32 $0x0  }
0x25: {  	v6 =	vld.idx.msk [tilespmem:v0+s18+$0x30 ss:$0x1], $0xffff  }
0x26: {  	v7 =	vld.idx.msk [tilespmem:v0+s18+$0xFFFFFFC0 ss:$0x1], $0xffff  }
0x27: {  	v5 =	vld.idx.msk [tilespmem:v0+s18+$0xFFFFFFD0 ss:$0x1], $0xffff  }
0x28: {  	v4 =	vld.idx.msk [tilespmem:v0+s18+$0xFFFFFFE0 ss:$0x1], $0xffff  }
0x29: {  	v3 =	vld.idx.msk [tilespmem:v0+s18+$0xFFFFFFF0 ss:$0x1], $0xffff  }
0x2a: {  	v1 =	vld.idx.msk [tilespmem:v0+s18+$0x0 ss:$0x1], $0xffff  }
0x2b: {  	v2 =	vld.idx.msk [tilespmem:v0+s18+$0x10 ss:$0x1], $0xffff;
	[tilespmem:s14+$0x30] =	vst v6  }
0x2c: {  	s17 =	simm.s32 $0x80;
	s19 =	simm.s32 $0x400;
	[tilespmem:s14+$0xFFFFFFC0] =	vst v7;
	v6 =	vld.idx.msk [tilespmem:v0+s18+$0x20 ss:$0x1], $0xffff;
	s18 =	smov.u32 s14  }
.LBB1_4:
0x2d: {  	p1 =	sne.s32 s19, $0xE00;
	v7 =	vld.idx.msk [tilespmem:v0+s17+$0x30 ss:$0x1], $0xffff;
	[tilespmem:s18+$0xFFFFFFD0] =	vst v5  }
0x2e: {  	v8 =	vld.idx.msk [tilespmem:v0+s17+$0xFFFFFFC0 ss:$0x1], $0xffff;
	[tilespmem:s18+$0xFFFFFFE0] =	vst v4  }
0x2f: {  	v5 =	vld.idx.msk [tilespmem:v0+s17+$0xFFFFFFD0 ss:$0x1], $0xffff;
	[tilespmem:s18+$0xFFFFFFF0] =	vst v3  }
.Ltmp3:
0x30: {  	v4 =	vld.idx.msk [tilespmem:v0+s17+$0xFFFFFFE0 ss:$0x1], $0xffff;
	[tilespmem:s18+$0x0] =	vst v1;
	(pc) =	sbr.rel @p1 .LBB1_4-.Ltmp3, $4  }
0x31: {  	v3 =	vld.idx.msk [tilespmem:v0+s17+$0xFFFFFFF0 ss:$0x1], $0xffff;
	[tilespmem:s18+$0x10] =	vst v2  }
0x32: {  	v1 =	vld.idx.msk [tilespmem:v0+s17+$0x0 ss:$0x1], $0xffff;
	[tilespmem:s18+$0x20] =	vst v6;
	s18 =	sadd.s32 $0x800, s18  }
0x33: {  	v2 =	vld.idx.msk [tilespmem:v0+s17+$0x10 ss:$0x1], $0xffff;
	[tilespmem:s18+$0x30] =	vst v7  }
0x34: {  	[tilespmem:s18+$0xFFFFFFC0] =	vst v8;
	v6 =	vld.idx.msk [tilespmem:v0+s17+$0x20 ss:$0x1], $0xffff;
	s17 =	sshra.s32 s19, $0x2;
	s19 =	sadd.s32 $0x200, s19  }
0x35: {  	_ =	sdelay $0x2  }
0x36: {  	[tilespmem:s18+$0xFFFFFFD0] =	vst v5  }
0x37: {  	v56 =	vld.idx.msk [tilespmem:v0+s17+$0x30 ss:$0x1], $0xffff;
	[tilespmem:s18+$0xFFFFFFE0] =	vst v4  }
0x38: {  	v57 =	vld.idx.msk [tilespmem:v0+s17+$0xFFFFFFC0 ss:$0x1], $0xffff;
	[tilespmem:s18+$0xFFFFFFF0] =	vst v3  }
0x39: {  	v58 =	vld.idx.msk [tilespmem:v0+s17+$0xFFFFFFD0 ss:$0x1], $0xffff;
	[tilespmem:s18+$0x0] =	vst v1  }
0x3a: {  	v59 =	vld.idx.msk [tilespmem:v0+s17+$0xFFFFFFE0 ss:$0x1], $0xffff;
	[tilespmem:s18+$0x10] =	vst v2  }
0x3b: {  	v60 =	vld.idx.msk [tilespmem:v0+s17+$0xFFFFFFF0 ss:$0x1], $0xffff;
	s31 =	sadd.s32 $0x800, s18;
	[tilespmem:s18+$0x20] =	vst v6  }
0x3c: {  	v61 =	vld.idx.msk [tilespmem:v0+s17+$0x0 ss:$0x1], $0xffff;
	[tilespmem:s31+$0x30] =	vst v56  }
0x3d: {  	v62 =	vld.idx.msk [tilespmem:v0+s17+$0x10 ss:$0x1], $0xffff;
	s16 =	sadd.s32 $0x1, s16;
	[tilespmem:s31+$0xFFFFFFC0] =	vst v57  }
0x3e: {  	v63 =	vld.idx.msk [tilespmem:v0+s17+$0x20 ss:$0x1], $0xffff;
	p1 =	sne.s32 s16, $0x10;
	[tilespmem:s31+$0xFFFFFFD0] =	vst v58  }
.Ltmp4:
0x3f: {  	[tilespmem:s31+$0xFFFFFFE0] =	vst v59;
	(pc) =	sbr.rel @p1 .LBB1_3-.Ltmp4, $4  }
0x40: {  	[tilespmem:s31+$0xFFFFFFF0] =	vst v60  }
0x41: {  	[tilespmem:s31+$0x0] =	vst v61  }
0x42: {  	[tilespmem:s31+$0x10] =	vst v62  }
0x43: {  	s14 =	sadd.s32 $0x80, s14;
	s15 =	sadd.s32 $0x400, s15;
	[tilespmem:s31+$0x20] =	vst v63  }
0x44: {  	s11 =	sand.u32 $0x1FFFFFF, s11  }
0x45: {  	s14 =	smulhi.u32 $0x14E5E0B, s11;
	_ =	sdelay $0x1  }
0x46: {  	s12 =	smul.u32 $0x18800, s12;
	s14 =	sshrl.u32 s14, $0x2  }
0x47: {  	s14 =	smul.u32 $0x310, s14  }
.Ltmp5:
0x48: {  	_ = 	snop;
	(pc) =	sbr.rel .LBB1_7-.Ltmp5, $4  }
0x49: {  	s11 =	ssub.s32 s11, s14  }
0x4a: {  	s12 =	sadd.s32 s3, s12;
	s11 =	sshll.u32 s11, $0x4  }
0x4b: {  	s11 =	sadd.s32 s11, s12  }
0x4c: {  	[hbm4b:s11+s6] =	stream.strided.scatter [tilespmem:s13], [sflag:$0x2], $0x4000, s7, s6, $0x38;
	[tilespmem:$0x10000] =	vst v63  }
.LBB1_8:
0x4d: {  	_ =	sfence.sel $0x180000  }
0x4e: {  	s2 =	simm.s32 $0x1;
	[bflag:$0x0] =	sbarrier.arrive $0xFFFF  }
0x4f: {  	s31 =	simm.s32 $0x2;
	[sflag:s2] =	ssyncpa.u1 $0x1  }
0x50: {  	[sflag:s31] =	ssyncpa.u1 $0x1  }
0x51: {  	p0 =	sne.s32 s1, $0x0;
	_ =	strace $0x90000047  }
0x52: {  	s0 =	sadd.s32 @!p0 $0x100000, s0;
	[bflag:$0x2] =	sbarrier.arrive $0xFFFF  }
0x53: {  	[sflag:s0] =	ssyncadd.tile.s32 @!p0 $0x1;
	_ =	shalt  }
.Lfunc_end1:
_tile_overlayer_lowered:
.L_overlay_start_2:
0x54: {  	(tag) =	ssettag $0x2  }
0x55: {  	s0 =	rddreg [dreg:$0x0];
	s2 =	stileid.u32  }
0x56: {  	s1 =	rddreg [dreg:$0x1];
	p0 =	sne.s32 s2, $0x0  }
0x57: {  	s3 =	rddreg [dreg:$0x2];
	[bflag:$0x3] =	sbarrier.arrive $0xFFFF;
	s2 =	simm.s32 @!p0 $0x1C01  }
0x58: {  	[timem:s3], [sflag:s2] =	dma.local @!p0 [hbm:s0], s1  }
0x59: {  	s0 =	simm.s32 @!p0 $0x1  }
0x5a: {  	_ =	swait.ge @!p0 [sflag:s0], s1  }
0x5b: {  	s1 =	ssub.s32 @!p0 $0x0, s1;
	[sflag:s0] =	ssyncset.done @!p0 $0x0  }
0x5c: {  	[sflag:s0] =	ssyncadd.s32 @!p0 s1  }
0x5d: {  	[bflag:$0x3] =	sbarrier.arrive $0xFFFF  }
0x5e: {  	_ =	shalt  }

</sc_bundles>
